<compile_context>
chip_gen: v7x
topology: tpu7x:2x2x1
jax: 0.10.2.dev20260603
libtpu: 0.0.44.dev20260713+nightly
codegen_flags: <defaults>
</compile_context>

<pallas_src>
import dataclasses
import functools

import jax
import jax.numpy as jnp
from jax import lax
from jax.experimental import pallas as pl
from jax.experimental.pallas import tpu as pltpu
from jax.experimental.pallas import tpu_sc as plsc

N = 10000
E = 320000
NUM_DRUGS = 10000
D = 128
G = 256

NC = 2
NS = 16
NW = NC * NS

N_PAD = 10240
ROWS_PER_TILE = N_PAD // NS
ECHUNK = 128
ECHUNKS_PER_TILE = 79
EDGES_PER_TILE = ECHUNK * ECHUNKS_PER_TILE
E_PAD = EDGES_PER_TILE * NW
GCHUNK = 64
GCHUNKS_PER_TILE = 5
ROWS_GATHER_TILE = GCHUNK * GCHUNKS_PER_TILE

def _sc_deg_emb_body(emb_hbm, idx_hbm, dst_hbm,
                     h0_hbm, degp_hbm,
                     hist_sh, didx_v, hist_v, comb_v, sum_v, gidx_v, grow_v):
    cid = lax.axis_index("c")
    sid = lax.axis_index("s")
    wid = cid * NS + sid
    pltpu.sync_copy(dst_hbm.at[wid], didx_v)
    pltpu.sync_copy(idx_hbm.at[wid], gidx_v)

    zero16 = jnp.zeros((16,), jnp.float32)

    @pl.loop(0, N_PAD, step=16)
    def _(i):
        hist_v[pl.ds(i, 16)] = zero16

    one16 = jnp.ones((16,), jnp.float32)

    @pl.loop(0, ECHUNKS_PER_TILE)
    def _(j):
        @pl.loop(0, ECHUNK, step=16)
        def _(c):
            plsc.addupdate_scatter(hist_v, [didx_v[j, pl.ds(c, 16)]], one16)

    pltpu.sync_copy(hist_v, hist_sh.at[sid])

    b0 = wid * ROWS_GATHER_TILE

    @pl.loop(0, GCHUNKS_PER_TILE)
    def _(j):
        pltpu.sync_copy(emb_hbm.at[gidx_v.at[j]], grow_v)
        pltpu.sync_copy(grow_v, h0_hbm.at[pl.ds(b0 + j * GCHUNK, GCHUNK)])

    plsc.subcore_barrier()

    r0 = sid * ROWS_PER_TILE
    pltpu.sync_copy(hist_sh.at[:, pl.ds(r0, ROWS_PER_TILE)], comb_v)

    @pl.loop(0, ROWS_PER_TILE, step=16)
    def _(c):
        acc = comb_v[0, pl.ds(c, 16)]
        acc = jax.lax.fori_loop(
            1, NS, lambda r, a: a + comb_v[r, pl.ds(c, 16)], acc)
        sum_v[pl.ds(c, 16)] = acc

    pltpu.sync_copy(sum_v, degp_hbm.at[cid, pl.ds(r0, ROWS_PER_TILE)])


def _sc_edge_agg_body(u_hbm, src_hbm, dst_hbm, spart_hbm,
                      acc_sh, sidx_v, didx_v, rows2_v):
    cid = lax.axis_index("c")
    sid = lax.axis_index("s")
    wid = cid * NS + sid

    zero16 = jnp.zeros((16,), jnp.float32)

    @pl.loop(0, ECHUNK)
    def _(r):
        @pl.loop(0, D, step=16)
        def _(c):
            rows2_v[r, pl.ds(c, 16)] = zero16

    r0 = sid * ROWS_PER_TILE

    @pl.loop(0, ROWS_PER_TILE // ECHUNK)
    def _(bb):
        pltpu.sync_copy(rows2_v, acc_sh.at[pl.ds(r0 + bb * ECHUNK, ECHUNK)])

    plsc.subcore_barrier()

    pltpu.sync_copy(src_hbm.at[wid], sidx_v)
    pltpu.sync_copy(dst_hbm.at[wid], didx_v)

    @pl.loop(0, ECHUNKS_PER_TILE)
    def _(j):
        pltpu.sync_copy(u_hbm.at[sidx_v.at[j]], rows2_v)
        pltpu.sync_copy(rows2_v, acc_sh.at[didx_v.at[j]], add=True)

    plsc.subcore_barrier()
    pltpu.sync_copy(acc_sh.at[pl.ds(r0, ROWS_PER_TILE)],
                    spart_hbm.at[cid, pl.ds(r0, ROWS_PER_TILE)])


@functools.lru_cache(maxsize=None)
def _sc_kernels():
    mesh = plsc.VectorSubcoreMesh(core_axis_name="c", subcore_axis_name="s")
    cp = pltpu.CompilerParams()
    if "needs_layout_passes" in pltpu.CompilerParams.__dataclass_fields__:
        cp = dataclasses.replace(cp, needs_layout_passes=False)
    deg_emb = pl.kernel(
        _sc_deg_emb_body,
        out_type=(
            jax.ShapeDtypeStruct((N_PAD, D), jnp.float32),
            jax.ShapeDtypeStruct((NC, N_PAD), jnp.float32),
        ),
        mesh=mesh,
        compiler_params=cp,
        scratch_types=[
            pltpu.VMEM_SHARED((NS, N_PAD), jnp.float32),
            pltpu.VMEM((ECHUNKS_PER_TILE, ECHUNK), jnp.int32),
            pltpu.VMEM((N_PAD,), jnp.float32),
            pltpu.VMEM((NS, ROWS_PER_TILE), jnp.float32),
            pltpu.VMEM((ROWS_PER_TILE,), jnp.float32),
            pltpu.VMEM((GCHUNKS_PER_TILE, GCHUNK), jnp.int32),
            pltpu.VMEM((GCHUNK, D), jnp.float32),
        ],
    )
    edge_agg = pl.kernel(
        _sc_edge_agg_body,
        out_type=jax.ShapeDtypeStruct((NC, N_PAD, D), jnp.float32),
        mesh=mesh,
        scratch_types=[
            pltpu.VMEM_SHARED((N_PAD, D), jnp.float32),
            pltpu.VMEM((ECHUNKS_PER_TILE, ECHUNK), jnp.int32),
            pltpu.VMEM((ECHUNKS_PER_TILE, ECHUNK), jnp.int32),
            pltpu.VMEM((ECHUNK, D), jnp.float32),
        ],
    )
    return deg_emb, edge_agg


def _dinv_from(degp_ref):
    deg = degp_ref[0, :] + degp_ref[1, :] + 1.0
    return lax.rsqrt(deg)


def _tc_u1_body(h0_ref, degp_ref, w_ref, u_ref):
    dinv = _dinv_from(degp_ref)
    hw = jnp.dot(h0_ref[...], w_ref[...], preferred_element_type=jnp.float32)
    u_ref[...] = dinv[:, None] * hw


def _tc_mid_body(s_ref, u_ref, degp_ref, w_ref, b_ref, u2_ref):
    dinv = _dinv_from(degp_ref)
    h = dinv[:, None] * (s_ref[0] + s_ref[1] + u_ref[...]) + b_ref[...]
    h = jnp.maximum(h, 0.0)
    hw = jnp.dot(h, w_ref[...], preferred_element_type=jnp.float32)
    u2_ref[...] = dinv[:, None] * hw


def _tc_head_body(s_ref, u_ref, degp_ref, b_ref, batch_ref,
                  wc1_ref, bc1_ref, wc2_ref, bc2_ref, out_ref):
    dinv = _dinv_from(degp_ref)
    h = dinv[:, None] * (s_ref[0] + s_ref[1] + u_ref[...]) + b_ref[...]
    h = jnp.maximum(h, 0.0)
    ids = batch_ref[0, :]
    gids = lax.broadcasted_iota(jnp.int32, (G, N_PAD), 0)
    onehot = (ids[None, :] == gids).astype(jnp.float32)
    cnt = jnp.sum(onehot, axis=1)
    pooled = jnp.dot(onehot, h, preferred_element_type=jnp.float32)
    pooled = pooled / jnp.maximum(cnt, 1.0)[:, None]
    z = jnp.dot(pooled, wc1_ref[...], preferred_element_type=jnp.float32)
    z = jnp.maximum(z + bc1_ref[...], 0.0)
    o = jnp.dot(z, wc2_ref[...], preferred_element_type=jnp.float32)
    out_ref[...] = jax.nn.sigmoid(o + bc2_ref[...])


def kernel(x, edge_index, batch, emb, W1, b1, W2, b2, Wc1, bc1, Wc2, bc2):
    f32 = jnp.float32
    idx = jnp.reshape(x, (-1,)).astype(jnp.int32)
    idx_p = jnp.pad(idx, (0, N_PAD - N)).reshape(
        NW, GCHUNKS_PER_TILE, GCHUNK)
    src_p = jnp.pad(edge_index[0], (0, E_PAD - E)).reshape(
        NW, ECHUNKS_PER_TILE, ECHUNK)
    dst_p = jnp.pad(edge_index[1], (0, E_PAD - E),
                    constant_values=N_PAD - 1).reshape(
        NW, ECHUNKS_PER_TILE, ECHUNK)
    batch_p = jnp.pad(batch, (0, N_PAD - N), constant_values=G).reshape(
        1, N_PAD)

    sc_deg_emb, sc_edge_agg = _sc_kernels()

    h0, degp = sc_deg_emb(emb, idx_p, dst_p)

    u1 = pl.pallas_call(
        _tc_u1_body,
        out_shape=jax.ShapeDtypeStruct((N_PAD, D), f32),
    )(h0, degp, W1)

    s1 = sc_edge_agg(u1, src_p, dst_p)

    u2 = pl.pallas_call(
        _tc_mid_body,
        out_shape=jax.ShapeDtypeStruct((N_PAD, D), f32),
    )(s1, u1, degp, W2, b1.reshape(1, D))

    s2 = sc_edge_agg(u2, src_p, dst_p)

    out = pl.pallas_call(
        _tc_head_body,
        out_shape=jax.ShapeDtypeStruct((G, 1), f32),
    )(s2, u2, degp, b2.reshape(1, D), batch_p,
      Wc1, bc1.reshape(1, D), Wc2, bc2.reshape(1, 1))

    return out.reshape(-1)

# --- scband reference (transcript-rebuilt; emitter-appended) ---
"""Pipeline reference for scband-gnndrug-interaction-model-51135880627004 (READ-ONLY COPY).

The authoritative reference and input builder live on the scoring server;
editing this copy changes nothing except your own understanding.
"""

import jax, jax.numpy as jnp
import numpy as np

N = 10000
E = 320000
NUM_DRUGS = 10000
D = 128
H = 128
G = 256


def setup_inputs(seed: int = 0) -> dict:
    key = jax.random.key(seed)
    ks = jax.random.split(key, 16)
    x = jax.random.randint(ks[0], (N, 1), 0, NUM_DRUGS, dtype=jnp.int32)
    edge_index = jax.random.randint(ks[1], (2, E), 0, N, dtype=jnp.int32)
    batch = jnp.sort(jax.random.randint(ks[2], (N,), 0, G, dtype=jnp.int32))
    emb = jax.random.normal(ks[3], (NUM_DRUGS, D), dtype=jnp.float32) * 0.02
    W1 = jax.random.normal(ks[4], (D, H), dtype=jnp.float32) * (1.0 / np.sqrt(D))
    b1 = jnp.zeros((H,), dtype=jnp.float32)
    W2 = jax.random.normal(ks[5], (H, H), dtype=jnp.float32) * (1.0 / np.sqrt(H))
    b2 = jnp.zeros((H,), dtype=jnp.float32)
    Wc1 = jax.random.normal(ks[6], (H, H), dtype=jnp.float32) * (1.0 / np.sqrt(H))
    bc1 = jnp.zeros((H,), dtype=jnp.float32)
    Wc2 = jax.random.normal(ks[7], (H, 1), dtype=jnp.float32) * (1.0 / np.sqrt(H))
    bc2 = jnp.zeros((1,), dtype=jnp.float32)
    return {"x": x, "edge_index": edge_index, "batch": batch, "emb": emb,
            "W1": W1, "b1": b1, "W2": W2, "b2": b2,
            "Wc1": Wc1, "bc1": bc1, "Wc2": Wc2, "bc2": bc2}


def _gcn_conv(h, edge_index, W, b):
    # GCNConv: x' = D^{-1/2} (A + I) D^{-1/2} X W + b
    src = edge_index[0]
    dst = edge_index[1]
    loop = jnp.arange(N, dtype=src.dtype)
    row = jnp.concatenate([src, loop])
    col = jnp.concatenate([dst, loop])
    deg = jax.ops.segment_sum(jnp.ones_like(col, dtype=h.dtype), col, num_segments=N)
    dinv = jnp.where(deg > 0, deg ** -0.5, 0.0)
    norm = dinv[row] * dinv[col]
    hW = h @ W
    msg = hW[row] * norm[:, None]
    out = jax.ops.segment_sum(msg, col, num_segments=N) + b
    return out


def reference(x, edge_index, batch, emb, W1, b1, W2, b2, Wc1, bc1, Wc2, bc2):
    idx = jnp.squeeze(x, axis=-1).astype(jnp.int32)
    h = jnp.take(emb, idx, axis=0)
    h = jax.nn.relu(_gcn_conv(h, edge_index, W1, b1))
    h = jax.nn.relu(_gcn_conv(h, edge_index, W2, b2))
    counts = jax.ops.segment_sum(jnp.ones((N,), dtype=h.dtype), batch, num_segments=G)
    pooled = jax.ops.segment_sum(h, batch, num_segments=G) / jnp.clip(counts, 1.0)[:, None]
    z = jax.nn.relu(pooled @ Wc1 + bc1)
    out = jax.nn.sigmoid(z @ Wc2 + bc2).reshape(-1)
    return out

if __name__ == "__main__":
    import jax
    _d = setup_inputs()
    print(jax.jit(kernel)(*tuple(_d.values())))

</pallas_src>

<mosaic_0001>
#map = affine_map<(d0, d1) -> (0, 0)>
#map1 = affine_map<(d0, d1) -> (0, 0, 0)>
module attributes {stable_mosaic.version = 14 : i64} {
  func.func @_sc_edge_agg_body(%arg0: i32, %arg1: i32, %arg2: memref<10240x128xf32, #tpu.memory_space<hbm>>, %arg3: memref<32x79x128xi32, #tpu.memory_space<hbm>>, %arg4: memref<32x79x128xi32, #tpu.memory_space<hbm>>, %arg5: memref<2x10240x128xf32, #tpu.memory_space<hbm>>, %arg6: memref<10240x128xf32, #tpu.memory_space<vmem_shared>>, %arg7: memref<79x128xi32, #tpu.memory_space<vmem>>, %arg8: memref<79x128xi32, #tpu.memory_space<vmem>>, %arg9: memref<128x128xf32, #tpu.memory_space<vmem>>) attributes {dimension_semantics = [#tpu.dimension_semantics<core_parallel>, #tpu.dimension_semantics<subcore_parallel>], iteration_bounds = array<i64: 2, 16>, scalar_prefetch = 0 : i64, scratch_operands = 4 : i64, tpu.core_type = #tpu.core_type<sc_vector_subcore>, window_params = [{transform_indices = #map}, {transform_indices = #map1}, {transform_indices = #map1}, {transform_indices = #map1}]} {
    %mul3A = arith.constant 16 : i32
    %mul3A_0 = arith.muli %arg0, %mul3A : i32
    %add3A = arith.addi %mul3A_0, %arg1 : i32
    %broadcast_in_dim3A = arith.constant 0.000000e+00 : f32
    %broadcast_in_dim3A_1 = vector.broadcast %broadcast_in_dim3A : f32 to vector<16xf32>
    %scan3A = arith.constant 0 : i32
    %scan3A_2 = arith.constant 128 : i32
    %scan3A_3 = arith.addi %scan3A, %scan3A_2 : i32
    %scan3A_4 = arith.constant 1 : i32
    scf.for %scan3A_19 = %scan3A to %scan3A_3 step %scan3A_4  : i32 {
      %mul3A_20 = arith.constant 1 : i32
      %mul3A_21 = arith.muli %scan3A_19, %mul3A_20 : i32
      %add3A_22 = arith.constant 0 : i32
      %add3A_23 = arith.addi %add3A_22, %mul3A_21 : i32
      %scan3A_24 = arith.constant 0 : i32
      %scan3A_25 = arith.constant 8 : i32
      %scan3A_26 = arith.addi %scan3A_24, %scan3A_25 : i32
      %scan3A_27 = arith.constant 1 : i32
      scf.for %scan3A_29 = %scan3A_24 to %scan3A_26 step %scan3A_27  : i32 {
        %mul3A_30 = arith.constant 16 : i32
        %mul3A_31 = arith.muli %scan3A_29, %mul3A_30 : i32
        %add3A_32 = arith.constant 0 : i32
        %add3A_33 = arith.addi %add3A_32, %mul3A_31 : i32
        %swap3A = arith.index_cast %add3A_23 : i32 to index
        %swap3A_34 = arith.index_cast %add3A_33 : i32 to index
        %swap3A_35 = tpu.vector_load %arg9[%swap3A, %swap3A_34] {strides = array<i32>} : memref<128x128xf32, #tpu.memory_space<vmem>>, vector<1x16xf32>,
        %swap3A_36 = vector.shape_cast %swap3A_35 : vector<1x16xf32> to vector<16xf32>
        %swap3A_37 = vector.shape_cast %broadcast_in_dim3A_1 : vector<16xf32> to vector<1x16xf32>
        tpu.vector_store %arg9[%swap3A, %swap3A_34], %swap3A_37 {strides = array<i32>} : memref<128x128xf32, #tpu.memory_space<vmem>>, vector<1x16xf32>,
      }
      %scan3A_28 = arith.constant 8 : i32
    }
    %scan3A_5 = arith.constant 128 : i32
    %mul3A_6 = arith.constant 640 : i32
    %mul3A_7 = arith.muli %arg1, %mul3A_6 : i32
    %scan3A_8 = arith.constant 0 : i32
    %scan3A_9 = arith.constant 5 : i32
    %scan3A_10 = arith.addi %scan3A_8, %scan3A_9 : i32
    %scan3A_11 = arith.constant 1 : i32
    scf.for %scan3A_19 = %scan3A_8 to %scan3A_10 step %scan3A_11  : i32 {
      %mul3A_20 = arith.constant 1 : i32
      %mul3A_21 = arith.muli %scan3A_19, %mul3A_20 : i32
      %add3A_22 = arith.constant 0 : i32
      %add3A_23 = arith.addi %add3A_22, %mul3A_21 : i32
      %mul3A_24 = arith.constant 128 : i32
      %mul3A_25 = arith.muli %add3A_23, %mul3A_24 : i32
      %add3A_26 = arith.addi %mul3A_7, %mul3A_25 : i32
      "tpu.region"() ({
        %run_scoped3A = tpu.sem_alloc : memref<!tpu.dma_semaphore, #tpu.memory_space<semaphore_mem>>
        %dma_start3A = arith.constant 0 : i32
        %dma_start3A_27 = tpu.memref_slice %arg6[%add3A_26, %dma_start3A] : memref<10240x128xf32, #tpu.memory_space<vmem_shared>> -> memref<128x128xf32, #tpu.memory_space<vmem_shared>>
        %dma_start3A_28 = arith.constant 0 : i32
        %dma_start3A_29 = tpu.memref_slice %arg6[%add3A_26, %dma_start3A_28] : memref<10240x128xf32, #tpu.memory_space<vmem_shared>> -> memref<128x128xf32, #tpu.memory_space<vmem_shared>>
        tpu.enqueue_dma source(%arg9 : memref<128x128xf32, #tpu.memory_space<vmem>>) target(%dma_start3A_29 : memref<128x128xf32, #tpu.memory_space<vmem_shared>>) target_semaphore(%run_scoped3A : memref<!tpu.dma_semaphore, #tpu.memory_space<semaphore_mem>>)
        %dma_wait3A = arith.constant 0 : i32
        %dma_wait3A_30 = tpu.memref_slice %arg6[%add3A_26, %dma_wait3A] : memref<10240x128xf32, #tpu.memory_space<vmem_shared>> -> memref<128x128xf32, #tpu.memory_space<vmem_shared>>
        %dma_wait3A_31 = arith.constant 0 : i32
        %dma_wait3A_32 = tpu.memref_slice %arg6[%add3A_26, %dma_wait3A_31] : memref<10240x128xf32, #tpu.memory_space<vmem_shared>> -> memref<128x128xf32, #tpu.memory_space<vmem_shared>>
        tpu.wait_dma2 semaphore(%run_scoped3A : memref<!tpu.dma_semaphore, #tpu.memory_space<semaphore_mem>>) src(%arg9 : memref<128x128xf32, #tpu.memory_space<vmem>>) dst(%dma_wait3A_32 : memref<128x128xf32, #tpu.memory_space<vmem_shared>>)
        tpu.yield
      }) : () -> ()
    }
    %scan3A_12 = arith.constant 5 : i32
    %barrier3A = arith.constant 0 : index
    tpu.barrier barrier_id(%barrier3A)
    "tpu.region"() ({
      %run_scoped3A = tpu.sem_alloc : memref<!tpu.dma_semaphore, #tpu.memory_space<semaphore_mem>>
      %dma_start3A = arith.constant 0 : i32
      %dma_start3A_19 = arith.constant 0 : i32
      %dma_start3A_20 = tpu.memref_slice %arg3[%add3A, %dma_start3A, %dma_start3A_19] : memref<32x79x128xi32, #tpu.memory_space<hbm>> -> memref<1x79x128xi32, #tpu.memory_space<hbm>>
      %dma_start3A_21 = tpu.memref_squeeze %dma_start3A_20 : memref<1x79x128xi32, #tpu.memory_space<hbm>> -> memref<79x128xi32, #tpu.memory_space<hbm>>
      %dma_start3A_22 = arith.constant 0 : i32
      %dma_start3A_23 = arith.constant 0 : i32
      %dma_start3A_24 = tpu.memref_slice %arg3[%add3A, %dma_start3A_22, %dma_start3A_23] : memref<32x79x128xi32, #tpu.memory_space<hbm>> -> memref<1x79x128xi32, #tpu.memory_space<hbm>>
      %dma_start3A_25 = tpu.memref_squeeze %dma_start3A_24 : memref<1x79x128xi32, #tpu.memory_space<hbm>> -> memref<79x128xi32, #tpu.memory_space<hbm>>
      tpu.enqueue_dma source(%dma_start3A_25 : memref<79x128xi32, #tpu.memory_space<hbm>>) target(%arg7 : memref<79x128xi32, #tpu.memory_space<vmem>>) target_semaphore(%run_scoped3A : memref<!tpu.dma_semaphore, #tpu.memory_space<semaphore_mem>>)
      %dma_wait3A = arith.constant 0 : i32
      %dma_wait3A_26 = arith.constant 0 : i32
      %dma_wait3A_27 = tpu.memref_slice %arg3[%add3A, %dma_wait3A, %dma_wait3A_26] : memref<32x79x128xi32, #tpu.memory_space<hbm>> -> memref<1x79x128xi32, #tpu.memory_space<hbm>>
      %dma_wait3A_28 = tpu.memref_squeeze %dma_wait3A_27 : memref<1x79x128xi32, #tpu.memory_space<hbm>> -> memref<79x128xi32, #tpu.memory_space<hbm>>
      %dma_wait3A_29 = arith.constant 0 : i32
      %dma_wait3A_30 = arith.constant 0 : i32
      %dma_wait3A_31 = tpu.memref_slice %arg3[%add3A, %dma_wait3A_29, %dma_wait3A_30] : memref<32x79x128xi32, #tpu.memory_space<hbm>> -> memref<1x79x128xi32, #tpu.memory_space<hbm>>
      %dma_wait3A_32 = tpu.memref_squeeze %dma_wait3A_31 : memref<1x79x128xi32, #tpu.memory_space<hbm>> -> memref<79x128xi32, #tpu.memory_space<hbm>>
      tpu.wait_dma2 semaphore(%run_scoped3A : memref<!tpu.dma_semaphore, #tpu.memory_space<semaphore_mem>>) src(%dma_wait3A_32 : memref<79x128xi32, #tpu.memory_space<hbm>>) dst(%arg7 : memref<79x128xi32, #tpu.memory_space<vmem>>)
      tpu.yield
    }) : () -> ()
    "tpu.region"() ({
      %run_scoped3A = tpu.sem_alloc : memref<!tpu.dma_semaphore, #tpu.memory_space<semaphore_mem>>
      %dma_start3A = arith.constant 0 : i32
      %dma_start3A_19 = arith.constant 0 : i32
      %dma_start3A_20 = tpu.memref_slice %arg4[%add3A, %dma_start3A, %dma_start3A_19] : memref<32x79x128xi32, #tpu.memory_space<hbm>> -> memref<1x79x128xi32, #tpu.memory_space<hbm>>
      %dma_start3A_21 = tpu.memref_squeeze %dma_start3A_20 : memref<1x79x128xi32, #tpu.memory_space<hbm>> -> memref<79x128xi32, #tpu.memory_space<hbm>>
      %dma_start3A_22 = arith.constant 0 : i32
      %dma_start3A_23 = arith.constant 0 : i32
      %dma_start3A_24 = tpu.memref_slice %arg4[%add3A, %dma_start3A_22, %dma_start3A_23] : memref<32x79x128xi32, #tpu.memory_space<hbm>> -> memref<1x79x128xi32, #tpu.memory_space<hbm>>
      %dma_start3A_25 = tpu.memref_squeeze %dma_start3A_24 : memref<1x79x128xi32, #tpu.memory_space<hbm>> -> memref<79x128xi32, #tpu.memory_space<hbm>>
      tpu.enqueue_dma source(%dma_start3A_25 : memref<79x128xi32, #tpu.memory_space<hbm>>) target(%arg8 : memref<79x128xi32, #tpu.memory_space<vmem>>) target_semaphore(%run_scoped3A : memref<!tpu.dma_semaphore, #tpu.memory_space<semaphore_mem>>)
      %dma_wait3A = arith.constant 0 : i32
      %dma_wait3A_26 = arith.constant 0 : i32
      %dma_wait3A_27 = tpu.memref_slice %arg4[%add3A, %dma_wait3A, %dma_wait3A_26] : memref<32x79x128xi32, #tpu.memory_space<hbm>> -> memref<1x79x128xi32, #tpu.memory_space<hbm>>
      %dma_wait3A_28 = tpu.memref_squeeze %dma_wait3A_27 : memref<1x79x128xi32, #tpu.memory_space<hbm>> -> memref<79x128xi32, #tpu.memory_space<hbm>>
      %dma_wait3A_29 = arith.constant 0 : i32
      %dma_wait3A_30 = arith.constant 0 : i32
      %dma_wait3A_31 = tpu.memref_slice %arg4[%add3A, %dma_wait3A_29, %dma_wait3A_30] : memref<32x79x128xi32, #tpu.memory_space<hbm>> -> memref<1x79x128xi32, #tpu.memory_space<hbm>>
      %dma_wait3A_32 = tpu.memref_squeeze %dma_wait3A_31 : memref<1x79x128xi32, #tpu.memory_space<hbm>> -> memref<79x128xi32, #tpu.memory_space<hbm>>
      tpu.wait_dma2 semaphore(%run_scoped3A : memref<!tpu.dma_semaphore, #tpu.memory_space<semaphore_mem>>) src(%dma_wait3A_32 : memref<79x128xi32, #tpu.memory_space<hbm>>) dst(%arg8 : memref<79x128xi32, #tpu.memory_space<vmem>>)
      tpu.yield
    }) : () -> ()
    %scan3A_13 = arith.constant 0 : i32
    %scan3A_14 = arith.constant 79 : i32
    %scan3A_15 = arith.addi %scan3A_13, %scan3A_14 : i32
    %scan3A_16 = arith.constant 1 : i32
    scf.for %scan3A_19 = %scan3A_13 to %scan3A_15 step %scan3A_16  : i32 {
      %mul3A_20 = arith.constant 1 : i32
      %mul3A_21 = arith.muli %scan3A_19, %mul3A_20 : i32
      %add3A_22 = arith.constant 0 : i32
      %add3A_23 = arith.addi %add3A_22, %mul3A_21 : i32
      "tpu.region"() ({
        %run_scoped3A = tpu.sem_alloc : memref<!tpu.dma_semaphore, #tpu.memory_space<semaphore_mem>>
        %dma_start3A = arith.constant 0 : i32
        %dma_start3A_24 = tpu.memref_slice %arg7[%add3A_23, %dma_start3A] : memref<79x128xi32, #tpu.memory_space<vmem>> -> memref<1x128xi32, #tpu.memory_space<vmem>>
        %dma_start3A_25 = tpu.memref_squeeze %dma_start3A_24 : memref<1x128xi32, #tpu.memory_space<vmem>> -> memref<128xi32, #tpu.memory_space<vmem>>
        %dma_start3A_26 = arith.constant 0 : i32
        %dma_start3A_27 = arith.constant 0 : i32
        %dma_start3A_28 = tpu.memref_slice %arg2[%dma_start3A_26, %dma_start3A_27] : memref<10240x128xf32, #tpu.memory_space<hbm>> -> memref<10240x128xf32, #tpu.memory_space<hbm>>
        tpu.enqueue_indirect_dma source(%dma_start3A_28 : memref<10240x128xf32, #tpu.memory_space<hbm>>) target(%arg9 : memref<128x128xf32, #tpu.memory_space<vmem>>) offsets(%dma_start3A_25 : memref<128xi32, #tpu.memory_space<vmem>>) semaphore(%run_scoped3A : memref<!tpu.dma_semaphore, #tpu.memory_space<semaphore_mem>>)
        %dma_wait3A = arith.constant 0 : i32
        %dma_wait3A_29 = tpu.memref_slice %arg7[%add3A_23, %dma_wait3A] : memref<79x128xi32, #tpu.memory_space<vmem>> -> memref<1x128xi32, #tpu.memory_space<vmem>>
        %dma_wait3A_30 = tpu.memref_squeeze %dma_wait3A_29 : memref<1x128xi32, #tpu.memory_space<vmem>> -> memref<128xi32, #tpu.memory_space<vmem>>
        %dma_wait3A_31 = arith.constant 0 : i32
        %dma_wait3A_32 = arith.constant 0 : i32
        %dma_wait3A_33 = tpu.memref_slice %arg2[%dma_wait3A_31, %dma_wait3A_32] : memref<10240x128xf32, #tpu.memory_space<hbm>> -> memref<10240x128xf32, #tpu.memory_space<hbm>>
        tpu.wait_indirect_dma semaphore(%run_scoped3A : memref<!tpu.dma_semaphore, #tpu.memory_space<semaphore_mem>>) src(%dma_wait3A_33 : memref<10240x128xf32, #tpu.memory_space<hbm>>) dst(%arg9 : memref<128x128xf32, #tpu.memory_space<vmem>>)
        tpu.yield
      }) : () -> ()
      "tpu.region"() ({
        %run_scoped3A = tpu.sem_alloc : memref<!tpu.dma_semaphore, #tpu.memory_space<semaphore_mem>>
        %dma_start3A = arith.constant 0 : i32
        %dma_start3A_24 = tpu.memref_slice %arg8[%add3A_23, %dma_start3A] : memref<79x128xi32, #tpu.memory_space<vmem>> -> memref<1x128xi32, #tpu.memory_space<vmem>>
        %dma_start3A_25 = tpu.memref_squeeze %dma_start3A_24 : memref<1x128xi32, #tpu.memory_space<vmem>> -> memref<128xi32, #tpu.memory_space<vmem>>
        %dma_start3A_26 = arith.constant 0 : i32
        %dma_start3A_27 = arith.constant 0 : i32
        %dma_start3A_28 = tpu.memref_slice %arg6[%dma_start3A_26, %dma_start3A_27] : memref<10240x128xf32, #tpu.memory_space<vmem_shared>> -> memref<10240x128xf32, #tpu.memory_space<vmem_shared>>
        tpu.enqueue_indirect_dma source(%arg9 : memref<128x128xf32, #tpu.memory_space<vmem>>) target(%dma_start3A_28 : memref<10240x128xf32, #tpu.memory_space<vmem_shared>>) offsets(%dma_start3A_25 : memref<128xi32, #tpu.memory_space<vmem>>) semaphore(%run_scoped3A : memref<!tpu.dma_semaphore, #tpu.memory_space<semaphore_mem>>) {add = true}
        %dma_wait3A = arith.constant 0 : i32
        %dma_wait3A_29 = tpu.memref_slice %arg8[%add3A_23, %dma_wait3A] : memref<79x128xi32, #tpu.memory_space<vmem>> -> memref<1x128xi32, #tpu.memory_space<vmem>>
        %dma_wait3A_30 = tpu.memref_squeeze %dma_wait3A_29 : memref<1x128xi32, #tpu.memory_space<vmem>> -> memref<128xi32, #tpu.memory_space<vmem>>
        %dma_wait3A_31 = arith.constant 0 : i32
        %dma_wait3A_32 = arith.constant 0 : i32
        %dma_wait3A_33 = tpu.memref_slice %arg6[%dma_wait3A_31, %dma_wait3A_32] : memref<10240x128xf32, #tpu.memory_space<vmem_shared>> -> memref<10240x128xf32, #tpu.memory_space<vmem_shared>>
        tpu.wait_indirect_dma semaphore(%run_scoped3A : memref<!tpu.dma_semaphore, #tpu.memory_space<semaphore_mem>>) src(%arg9 : memref<128x128xf32, #tpu.memory_space<vmem>>) dst(%dma_wait3A_33 : memref<10240x128xf32, #tpu.memory_space<vmem_shared>>)
        tpu.yield
      }) : () -> ()
    }
    %scan3A_17 = arith.constant 79 : i32
    %barrier3A_18 = arith.constant 0 : index
    tpu.barrier barrier_id(%barrier3A_18)
    "tpu.region"() ({
      %run_scoped3A = tpu.sem_alloc : memref<!tpu.dma_semaphore, #tpu.memory_space<semaphore_mem>>
      %dma_start3A = arith.constant 0 : i32
      %dma_start3A_19 = tpu.memref_slice %arg5[%arg0, %mul3A_7, %dma_start3A] : memref<2x10240x128xf32, #tpu.memory_space<hbm>> -> memref<1x640x128xf32, #tpu.memory_space<hbm>>
      %dma_start3A_20 = tpu.memref_squeeze %dma_start3A_19 : memref<1x640x128xf32, #tpu.memory_space<hbm>> -> memref<640x128xf32, #tpu.memory_space<hbm>>
      %dma_start3A_21 = arith.constant 0 : i32
      %dma_start3A_22 = tpu.memref_slice %arg6[%mul3A_7, %dma_start3A_21] : memref<10240x128xf32, #tpu.memory_space<vmem_shared>> -> memref<640x128xf32, #tpu.memory_space<vmem_shared>>
      tpu.enqueue_dma source(%dma_start3A_22 : memref<640x128xf32, #tpu.memory_space<vmem_shared>>) target(%dma_start3A_20 : memref<640x128xf32, #tpu.memory_space<hbm>>) target_semaphore(%run_scoped3A : memref<!tpu.dma_semaphore, #tpu.memory_space<semaphore_mem>>)
      %dma_wait3A = arith.constant 0 : i32
      %dma_wait3A_23 = tpu.memref_slice %arg5[%arg0, %mul3A_7, %dma_wait3A] : memref<2x10240x128xf32, #tpu.memory_space<hbm>> -> memref<1x640x128xf32, #tpu.memory_space<hbm>>
      %dma_wait3A_24 = tpu.memref_squeeze %dma_wait3A_23 : memref<1x640x128xf32, #tpu.memory_space<hbm>> -> memref<640x128xf32, #tpu.memory_space<hbm>>
      %dma_wait3A_25 = arith.constant 0 : i32
      %dma_wait3A_26 = tpu.memref_slice %arg6[%mul3A_7, %dma_wait3A_25] : memref<10240x128xf32, #tpu.memory_space<vmem_shared>> -> memref<640x128xf32, #tpu.memory_space<vmem_shared>>
      tpu.wait_dma2 semaphore(%run_scoped3A : memref<!tpu.dma_semaphore, #tpu.memory_space<semaphore_mem>>) src(%dma_wait3A_26 : memref<640x128xf32, #tpu.memory_space<vmem_shared>>) dst(%dma_wait3A_24 : memref<640x128xf32, #tpu.memory_space<hbm>>)
      tpu.yield
    }) : () -> ()
    return
  }
}

#map = affine_map<(d0, d1) -> (0, 0)>
#map1 = affine_map<(d0, d1) -> (0, 0, 0)>
module attributes {stable_mosaic.version = 14 : i64} {
  func.func @_sc_edge_agg_body(%arg0: i32, %arg1: i32, %arg2: memref<10240x128xf32, #tpu.memory_space<hbm>>, %arg3: memref<32x79x128xi32, #tpu.memory_space<hbm>>, %arg4: memref<32x79x128xi32, #tpu.memory_space<hbm>>, %arg5: memref<2x10240x128xf32, #tpu.memory_space<hbm>>, %arg6: memref<10240x128xf32, #tpu.memory_space<vmem_shared>>, %arg7: memref<79x128xi32, #tpu.memory_space<vmem>>, %arg8: memref<79x128xi32, #tpu.memory_space<vmem>>, %arg9: memref<128x128xf32, #tpu.memory_space<vmem>>) attributes {dimension_semantics = [#tpu.dimension_semantics<core_parallel>, #tpu.dimension_semantics<subcore_parallel>], iteration_bounds = array<i64: 2, 16>, scalar_prefetch = 0 : i64, scratch_operands = 4 : i64, tpu.core_type = #tpu.core_type<sc_vector_subcore>, window_params = [{transform_indices = #map}, {transform_indices = #map1}, {transform_indices = #map1}, {transform_indices = #map1}]} {
    %mul3A = arith.constant 16 : i32
    %mul3A_0 = arith.muli %arg0, %mul3A : i32
    %add3A = arith.addi %mul3A_0, %arg1 : i32
    %broadcast_in_dim3A = arith.constant 0.000000e+00 : f32
    %broadcast_in_dim3A_1 = vector.broadcast %broadcast_in_dim3A : f32 to vector<16xf32>
    %scan3A = arith.constant 0 : i32
    %scan3A_2 = arith.constant 128 : i32
    %scan3A_3 = arith.addi %scan3A, %scan3A_2 : i32
    %scan3A_4 = arith.constant 1 : i32
    scf.for %scan3A_19 = %scan3A to %scan3A_3 step %scan3A_4  : i32 {
      %mul3A_20 = arith.constant 1 : i32
      %mul3A_21 = arith.muli %scan3A_19, %mul3A_20 : i32
      %add3A_22 = arith.constant 0 : i32
      %add3A_23 = arith.addi %add3A_22, %mul3A_21 : i32
      %scan3A_24 = arith.constant 0 : i32
      %scan3A_25 = arith.constant 8 : i32
      %scan3A_26 = arith.addi %scan3A_24, %scan3A_25 : i32
      %scan3A_27 = arith.constant 1 : i32
      scf.for %scan3A_29 = %scan3A_24 to %scan3A_26 step %scan3A_27  : i32 {
        %mul3A_30 = arith.constant 16 : i32
        %mul3A_31 = arith.muli %scan3A_29, %mul3A_30 : i32
        %add3A_32 = arith.constant 0 : i32
        %add3A_33 = arith.addi %add3A_32, %mul3A_31 : i32
        %swap3A = arith.index_cast %add3A_23 : i32 to index
        %swap3A_34 = arith.index_cast %add3A_33 : i32 to index
        %swap3A_35 = tpu.vector_load %arg9[%swap3A, %swap3A_34] {strides = array<i32>} : memref<128x128xf32, #tpu.memory_space<vmem>>, vector<1x16xf32>,
        %swap3A_36 = vector.shape_cast %swap3A_35 : vector<1x16xf32> to vector<16xf32>
        %swap3A_37 = vector.shape_cast %broadcast_in_dim3A_1 : vector<16xf32> to vector<1x16xf32>
        tpu.vector_store %arg9[%swap3A, %swap3A_34], %swap3A_37 {strides = array<i32>} : memref<128x128xf32, #tpu.memory_space<vmem>>, vector<1x16xf32>,
      }
      %scan3A_28 = arith.constant 8 : i32
    }
    %scan3A_5 = arith.constant 128 : i32
    %mul3A_6 = arith.constant 640 : i32
    %mul3A_7 = arith.muli %arg1, %mul3A_6 : i32
    %scan3A_8 = arith.constant 0 : i32
    %scan3A_9 = arith.constant 5 : i32
    %scan3A_10 = arith.addi %scan3A_8, %scan3A_9 : i32
    %scan3A_11 = arith.constant 1 : i32
    scf.for %scan3A_19 = %scan3A_8 to %scan3A_10 step %scan3A_11  : i32 {
      %mul3A_20 = arith.constant 1 : i32
      %mul3A_21 = arith.muli %scan3A_19, %mul3A_20 : i32
      %add3A_22 = arith.constant 0 : i32
      %add3A_23 = arith.addi %add3A_22, %mul3A_21 : i32
      %mul3A_24 = arith.constant 128 : i32
      %mul3A_25 = arith.muli %add3A_23, %mul3A_24 : i32
      %add3A_26 = arith.addi %mul3A_7, %mul3A_25 : i32
      "tpu.region"() ({
        %run_scoped3A = tpu.sem_alloc : memref<!tpu.dma_semaphore, #tpu.memory_space<semaphore_mem>>
        %dma_start3A = arith.constant 0 : i32
        %dma_start3A_27 = tpu.memref_slice %arg6[%add3A_26, %dma_start3A] : memref<10240x128xf32, #tpu.memory_space<vmem_shared>> -> memref<128x128xf32, #tpu.memory_space<vmem_shared>>
        %dma_start3A_28 = arith.constant 0 : i32
        %dma_start3A_29 = tpu.memref_slice %arg6[%add3A_26, %dma_start3A_28] : memref<10240x128xf32, #tpu.memory_space<vmem_shared>> -> memref<128x128xf32, #tpu.memory_space<vmem_shared>>
        tpu.enqueue_dma source(%arg9 : memref<128x128xf32, #tpu.memory_space<vmem>>) target(%dma_start3A_29 : memref<128x128xf32, #tpu.memory_space<vmem_shared>>) target_semaphore(%run_scoped3A : memref<!tpu.dma_semaphore, #tpu.memory_space<semaphore_mem>>)
        %dma_wait3A = arith.constant 0 : i32
        %dma_wait3A_30 = tpu.memref_slice %arg6[%add3A_26, %dma_wait3A] : memref<10240x128xf32, #tpu.memory_space<vmem_shared>> -> memref<128x128xf32, #tpu.memory_space<vmem_shared>>
        %dma_wait3A_31 = arith.constant 0 : i32
        %dma_wait3A_32 = tpu.memref_slice %arg6[%add3A_26, %dma_wait3A_31] : memref<10240x128xf32, #tpu.memory_space<vmem_shared>> -> memref<128x128xf32, #tpu.memory_space<vmem_shared>>
        tpu.wait_dma2 semaphore(%run_scoped3A : memref<!tpu.dma_semaphore, #tpu.memory_space<semaphore_mem>>) src(%arg9 : memref<128x128xf32, #tpu.memory_space<vmem>>) dst(%dma_wait3A_32 : memref<128x128xf32, #tpu.memory_space<vmem_shared>>)
        tpu.yield
      }) : () -> ()
    }
    %scan3A_12 = arith.constant 5 : i32
    %barrier3A = arith.constant 0 : index
    tpu.barrier barrier_id(%barrier3A)
    "tpu.region"() ({
      %run_scoped3A = tpu.sem_alloc : memref<!tpu.dma_semaphore, #tpu.memory_space<semaphore_mem>>
      %dma_start3A = arith.constant 0 : i32
      %dma_start3A_19 = arith.constant 0 : i32
      %dma_start3A_20 = tpu.memref_slice %arg3[%add3A, %dma_start3A, %dma_start3A_19] : memref<32x79x128xi32, #tpu.memory_space<hbm>> -> memref<1x79x128xi32, #tpu.memory_space<hbm>>
      %dma_start3A_21 = tpu.memref_squeeze %dma_start3A_20 : memref<1x79x128xi32, #tpu.memory_space<hbm>> -> memref<79x128xi32, #tpu.memory_space<hbm>>
      %dma_start3A_22 = arith.constant 0 : i32
      %dma_start3A_23 = arith.constant 0 : i32
      %dma_start3A_24 = tpu.memref_slice %arg3[%add3A, %dma_start3A_22, %dma_start3A_23] : memref<32x79x128xi32, #tpu.memory_space<hbm>> -> memref<1x79x128xi32, #tpu.memory_space<hbm>>
      %dma_start3A_25 = tpu.memref_squeeze %dma_start3A_24 : memref<1x79x128xi32, #tpu.memory_space<hbm>> -> memref<79x128xi32, #tpu.memory_space<hbm>>
      tpu.enqueue_dma source(%dma_start3A_25 : memref<79x128xi32, #tpu.memory_space<hbm>>) target(%arg7 : memref<79x128xi32, #tpu.memory_space<vmem>>) target_semaphore(%run_scoped3A : memref<!tpu.dma_semaphore, #tpu.memory_space<semaphore_mem>>)
      %dma_wait3A = arith.constant 0 : i32
      %dma_wait3A_26 = arith.constant 0 : i32
      %dma_wait3A_27 = tpu.memref_slice %arg3[%add3A, %dma_wait3A, %dma_wait3A_26] : memref<32x79x128xi32, #tpu.memory_space<hbm>> -> memref<1x79x128xi32, #tpu.memory_space<hbm>>
      %dma_wait3A_28 = tpu.memref_squeeze %dma_wait3A_27 : memref<1x79x128xi32, #tpu.memory_space<hbm>> -> memref<79x128xi32, #tpu.memory_space<hbm>>
      %dma_wait3A_29 = arith.constant 0 : i32
      %dma_wait3A_30 = arith.constant 0 : i32
      %dma_wait3A_31 = tpu.memref_slice %arg3[%add3A, %dma_wait3A_29, %dma_wait3A_30] : memref<32x79x128xi32, #tpu.memory_space<hbm>> -> memref<1x79x128xi32, #tpu.memory_space<hbm>>
      %dma_wait3A_32 = tpu.memref_squeeze %dma_wait3A_31 : memref<1x79x128xi32, #tpu.memory_space<hbm>> -> memref<79x128xi32, #tpu.memory_space<hbm>>
      tpu.wait_dma2 semaphore(%run_scoped3A : memref<!tpu.dma_semaphore, #tpu.memory_space<semaphore_mem>>) src(%dma_wait3A_32 : memref<79x128xi32, #tpu.memory_space<hbm>>) dst(%arg7 : memref<79x128xi32, #tpu.memory_space<vmem>>)
      tpu.yield
    }) : () -> ()
    "tpu.region"() ({
      %run_scoped3A = tpu.sem_alloc : memref<!tpu.dma_semaphore, #tpu.memory_space<semaphore_mem>>
      %dma_start3A = arith.constant 0 : i32
      %dma_start3A_19 = arith.constant 0 : i32
      %dma_start3A_20 = tpu.memref_slice %arg4[%add3A, %dma_start3A, %dma_start3A_19] : memref<32x79x128xi32, #tpu.memory_space<hbm>> -> memref<1x79x128xi32, #tpu.memory_space<hbm>>
      %dma_start3A_21 = tpu.memref_squeeze %dma_start3A_20 : memref<1x79x128xi32, #tpu.memory_space<hbm>> -> memref<79x128xi32, #tpu.memory_space<hbm>>
      %dma_start3A_22 = arith.constant 0 : i32
      %dma_start3A_23 = arith.constant 0 : i32
      %dma_start3A_24 = tpu.memref_slice %arg4[%add3A, %dma_start3A_22, %dma_start3A_23] : memref<32x79x128xi32, #tpu.memory_space<hbm>> -> memref<1x79x128xi32, #tpu.memory_space<hbm>>
      %dma_start3A_25 = tpu.memref_squeeze %dma_start3A_24 : memref<1x79x128xi32, #tpu.memory_space<hbm>> -> memref<79x128xi32, #tpu.memory_space<hbm>>
      tpu.enqueue_dma source(%dma_start3A_25 : memref<79x128xi32, #tpu.memory_space<hbm>>) target(%arg8 : memref<79x128xi32, #tpu.memory_space<vmem>>) target_semaphore(%run_scoped3A : memref<!tpu.dma_semaphore, #tpu.memory_space<semaphore_mem>>)
      %dma_wait3A = arith.constant 0 : i32
      %dma_wait3A_26 = arith.constant 0 : i32
      %dma_wait3A_27 = tpu.memref_slice %arg4[%add3A, %dma_wait3A, %dma_wait3A_26] : memref<32x79x128xi32, #tpu.memory_space<hbm>> -> memref<1x79x128xi32, #tpu.memory_space<hbm>>
      %dma_wait3A_28 = tpu.memref_squeeze %dma_wait3A_27 : memref<1x79x128xi32, #tpu.memory_space<hbm>> -> memref<79x128xi32, #tpu.memory_space<hbm>>
      %dma_wait3A_29 = arith.constant 0 : i32
      %dma_wait3A_30 = arith.constant 0 : i32
      %dma_wait3A_31 = tpu.memref_slice %arg4[%add3A, %dma_wait3A_29, %dma_wait3A_30] : memref<32x79x128xi32, #tpu.memory_space<hbm>> -> memref<1x79x128xi32, #tpu.memory_space<hbm>>
      %dma_wait3A_32 = tpu.memref_squeeze %dma_wait3A_31 : memref<1x79x128xi32, #tpu.memory_space<hbm>> -> memref<79x128xi32, #tpu.memory_space<hbm>>
      tpu.wait_dma2 semaphore(%run_scoped3A : memref<!tpu.dma_semaphore, #tpu.memory_space<semaphore_mem>>) src(%dma_wait3A_32 : memref<79x128xi32, #tpu.memory_space<hbm>>) dst(%arg8 : memref<79x128xi32, #tpu.memory_space<vmem>>)
      tpu.yield
    }) : () -> ()
    %scan3A_13 = arith.constant 0 : i32
    %scan3A_14 = arith.constant 79 : i32
    %scan3A_15 = arith.addi %scan3A_13, %scan3A_14 : i32
    %scan3A_16 = arith.constant 1 : i32
    scf.for %scan3A_19 = %scan3A_13 to %scan3A_15 step %scan3A_16  : i32 {
      %mul3A_20 = arith.constant 1 : i32
      %mul3A_21 = arith.muli %scan3A_19, %mul3A_20 : i32
      %add3A_22 = arith.constant 0 : i32
      %add3A_23 = arith.addi %add3A_22, %mul3A_21 : i32
      "tpu.region"() ({
        %run_scoped3A = tpu.sem_alloc : memref<!tpu.dma_semaphore, #tpu.memory_space<semaphore_mem>>
        %dma_start3A = arith.constant 0 : i32
        %dma_start3A_24 = tpu.memref_slice %arg7[%add3A_23, %dma_start3A] : memref<79x128xi32, #tpu.memory_space<vmem>> -> memref<1x128xi32, #tpu.memory_space<vmem>>
        %dma_start3A_25 = tpu.memref_squeeze %dma_start3A_24 : memref<1x128xi32, #tpu.memory_space<vmem>> -> memref<128xi32, #tpu.memory_space<vmem>>
        %dma_start3A_26 = arith.constant 0 : i32
        %dma_start3A_27 = arith.constant 0 : i32
        %dma_start3A_28 = tpu.memref_slice %arg2[%dma_start3A_26, %dma_start3A_27] : memref<10240x128xf32, #tpu.memory_space<hbm>> -> memref<10240x128xf32, #tpu.memory_space<hbm>>
        tpu.enqueue_indirect_dma source(%dma_start3A_28 : memref<10240x128xf32, #tpu.memory_space<hbm>>) target(%arg9 : memref<128x128xf32, #tpu.memory_space<vmem>>) offsets(%dma_start3A_25 : memref<128xi32, #tpu.memory_space<vmem>>) semaphore(%run_scoped3A : memref<!tpu.dma_semaphore, #tpu.memory_space<semaphore_mem>>)
        %dma_wait3A = arith.constant 0 : i32
        %dma_wait3A_29 = tpu.memref_slice %arg7[%add3A_23, %dma_wait3A] : memref<79x128xi32, #tpu.memory_space<vmem>> -> memref<1x128xi32, #tpu.memory_space<vmem>>
        %dma_wait3A_30 = tpu.memref_squeeze %dma_wait3A_29 : memref<1x128xi32, #tpu.memory_space<vmem>> -> memref<128xi32, #tpu.memory_space<vmem>>
        %dma_wait3A_31 = arith.constant 0 : i32
        %dma_wait3A_32 = arith.constant 0 : i32
        %dma_wait3A_33 = tpu.memref_slice %arg2[%dma_wait3A_31, %dma_wait3A_32] : memref<10240x128xf32, #tpu.memory_space<hbm>> -> memref<10240x128xf32, #tpu.memory_space<hbm>>
        tpu.wait_indirect_dma semaphore(%run_scoped3A : memref<!tpu.dma_semaphore, #tpu.memory_space<semaphore_mem>>) src(%dma_wait3A_33 : memref<10240x128xf32, #tpu.memory_space<hbm>>) dst(%arg9 : memref<128x128xf32, #tpu.memory_space<vmem>>)
        tpu.yield
      }) : () -> ()
      "tpu.region"() ({
        %run_scoped3A = tpu.sem_alloc : memref<!tpu.dma_semaphore, #tpu.memory_space<semaphore_mem>>
        %dma_start3A = arith.constant 0 : i32
        %dma_start3A_24 = tpu.memref_slice %arg8[%add3A_23, %dma_start3A] : memref<79x128xi32, #tpu.memory_space<vmem>> -> memref<1x128xi32, #tpu.memory_space<vmem>>
        %dma_start3A_25 = tpu.memref_squeeze %dma_start3A_24 : memref<1x128xi32, #tpu.memory_space<vmem>> -> memref<128xi32, #tpu.memory_space<vmem>>
        %dma_start3A_26 = arith.constant 0 : i32
        %dma_start3A_27 = arith.constant 0 : i32
        %dma_start3A_28 = tpu.memref_slice %arg6[%dma_start3A_26, %dma_start3A_27] : memref<10240x128xf32, #tpu.memory_space<vmem_shared>> -> memref<10240x128xf32, #tpu.memory_space<vmem_shared>>
        tpu.enqueue_indirect_dma source(%arg9 : memref<128x128xf32, #tpu.memory_space<vmem>>) target(%dma_start3A_28 : memref<10240x128xf32, #tpu.memory_space<vmem_shared>>) offsets(%dma_start3A_25 : memref<128xi32, #tpu.memory_space<vmem>>) semaphore(%run_scoped3A : memref<!tpu.dma_semaphore, #tpu.memory_space<semaphore_mem>>) {add = true}
        %dma_wait3A = arith.constant 0 : i32
        %dma_wait3A_29 = tpu.memref_slice %arg8[%add3A_23, %dma_wait3A] : memref<79x128xi32, #tpu.memory_space<vmem>> -> memref<1x128xi32, #tpu.memory_space<vmem>>
        %dma_wait3A_30 = tpu.memref_squeeze %dma_wait3A_29 : memref<1x128xi32, #tpu.memory_space<vmem>> -> memref<128xi32, #tpu.memory_space<vmem>>
        %dma_wait3A_31 = arith.constant 0 : i32
        %dma_wait3A_32 = arith.constant 0 : i32
        %dma_wait3A_33 = tpu.memref_slice %arg6[%dma_wait3A_31, %dma_wait3A_32] : memref<10240x128xf32, #tpu.memory_space<vmem_shared>> -> memref<10240x128xf32, #tpu.memory_space<vmem_shared>>
        tpu.wait_indirect_dma semaphore(%run_scoped3A : memref<!tpu.dma_semaphore, #tpu.memory_space<semaphore_mem>>) src(%arg9 : memref<128x128xf32, #tpu.memory_space<vmem>>) dst(%dma_wait3A_33 : memref<10240x128xf32, #tpu.memory_space<vmem_shared>>)
        tpu.yield
      }) : () -> ()
    }
    %scan3A_17 = arith.constant 79 : i32
    %barrier3A_18 = arith.constant 0 : index
    tpu.barrier barrier_id(%barrier3A_18)
    "tpu.region"() ({
      %run_scoped3A = tpu.sem_alloc : memref<!tpu.dma_semaphore, #tpu.memory_space<semaphore_mem>>
      %dma_start3A = arith.constant 0 : i32
      %dma_start3A_19 = tpu.memref_slice %arg5[%arg0, %mul3A_7, %dma_start3A] : memref<2x10240x128xf32, #tpu.memory_space<hbm>> -> memref<1x640x128xf32, #tpu.memory_space<hbm>>
      %dma_start3A_20 = tpu.memref_squeeze %dma_start3A_19 : memref<1x640x128xf32, #tpu.memory_space<hbm>> -> memref<640x128xf32, #tpu.memory_space<hbm>>
      %dma_start3A_21 = arith.constant 0 : i32
      %dma_start3A_22 = tpu.memref_slice %arg6[%mul3A_7, %dma_start3A_21] : memref<10240x128xf32, #tpu.memory_space<vmem_shared>> -> memref<640x128xf32, #tpu.memory_space<vmem_shared>>
      tpu.enqueue_dma source(%dma_start3A_22 : memref<640x128xf32, #tpu.memory_space<vmem_shared>>) target(%dma_start3A_20 : memref<640x128xf32, #tpu.memory_space<hbm>>) target_semaphore(%run_scoped3A : memref<!tpu.dma_semaphore, #tpu.memory_space<semaphore_mem>>)
      %dma_wait3A = arith.constant 0 : i32
      %dma_wait3A_23 = tpu.memref_slice %arg5[%arg0, %mul3A_7, %dma_wait3A] : memref<2x10240x128xf32, #tpu.memory_space<hbm>> -> memref<1x640x128xf32, #tpu.memory_space<hbm>>
      %dma_wait3A_24 = tpu.memref_squeeze %dma_wait3A_23 : memref<1x640x128xf32, #tpu.memory_space<hbm>> -> memref<640x128xf32, #tpu.memory_space<hbm>>
      %dma_wait3A_25 = arith.constant 0 : i32
      %dma_wait3A_26 = tpu.memref_slice %arg6[%mul3A_7, %dma_wait3A_25] : memref<10240x128xf32, #tpu.memory_space<vmem_shared>> -> memref<640x128xf32, #tpu.memory_space<vmem_shared>>
      tpu.wait_dma2 semaphore(%run_scoped3A : memref<!tpu.dma_semaphore, #tpu.memory_space<semaphore_mem>>) src(%dma_wait3A_26 : memref<640x128xf32, #tpu.memory_space<vmem_shared>>) dst(%dma_wait3A_24 : memref<640x128xf32, #tpu.memory_space<hbm>>)
      tpu.yield
    }) : () -> ()
    return
  }
}

#map = affine_map<(d0, d1) -> (0, 0)>
#map1 = affine_map<(d0, d1) -> (0, 0, 0)>
module attributes {stable_mosaic.version = 14 : i64} {
  func.func @_sc_deg_emb_body(%arg0: i32, %arg1: i32, %arg2: memref<10000x128xf32, #tpu.memory_space<hbm>>, %arg3: memref<32x5x64xi32, #tpu.memory_space<hbm>>, %arg4: memref<32x79x128xi32, #tpu.memory_space<hbm>>, %arg5: memref<10240x128xf32, #tpu.memory_space<hbm>>, %arg6: memref<2x10240xf32, #tpu.memory_space<hbm>>, %arg7: memref<16x10240xf32, #tpu.memory_space<vmem_shared>>, %arg8: memref<79x128xi32, #tpu.memory_space<vmem>>, %arg9: memref<10240xf32, #tpu.memory_space<vmem>>, %arg10: memref<16x640xf32, #tpu.memory_space<vmem>>, %arg11: memref<640xf32, #tpu.memory_space<vmem>>, %arg12: memref<5x64xi32, #tpu.memory_space<vmem>>, %arg13: memref<64x128xf32, #tpu.memory_space<vmem>>) attributes {dimension_semantics = [#tpu.dimension_semantics<core_parallel>, #tpu.dimension_semantics<subcore_parallel>], iteration_bounds = array<i64: 2, 16>, scalar_prefetch = 0 : i64, scratch_operands = 7 : i64, tpu.core_type = #tpu.core_type<sc_vector_subcore>, window_params = [{transform_indices = #map}, {transform_indices = #map1}, {transform_indices = #map1}, {transform_indices = #map}, {transform_indices = #map}]} {
    %mul3A = arith.constant 16 : i32
    %mul3A_0 = arith.muli %arg0, %mul3A : i32
    %add3A = arith.addi %mul3A_0, %arg1 : i32
    "tpu.region"() ({
      %run_scoped3A = tpu.sem_alloc : memref<!tpu.dma_semaphore, #tpu.memory_space<semaphore_mem>>
      %dma_start3A = arith.constant 0 : i32
      %dma_start3A_27 = arith.constant 0 : i32
      %dma_start3A_28 = tpu.memref_slice %arg4[%add3A, %dma_start3A, %dma_start3A_27] : memref<32x79x128xi32, #tpu.memory_space<hbm>> -> memref<1x79x128xi32, #tpu.memory_space<hbm>>
      %dma_start3A_29 = tpu.memref_squeeze %dma_start3A_28 : memref<1x79x128xi32, #tpu.memory_space<hbm>> -> memref<79x128xi32, #tpu.memory_space<hbm>>
      %dma_start3A_30 = arith.constant 0 : i32
      %dma_start3A_31 = arith.constant 0 : i32
      %dma_start3A_32 = tpu.memref_slice %arg4[%add3A, %dma_start3A_30, %dma_start3A_31] : memref<32x79x128xi32, #tpu.memory_space<hbm>> -> memref<1x79x128xi32, #tpu.memory_space<hbm>>
      %dma_start3A_33 = tpu.memref_squeeze %dma_start3A_32 : memref<1x79x128xi32, #tpu.memory_space<hbm>> -> memref<79x128xi32, #tpu.memory_space<hbm>>
      tpu.enqueue_dma source(%dma_start3A_33 : memref<79x128xi32, #tpu.memory_space<hbm>>) target(%arg8 : memref<79x128xi32, #tpu.memory_space<vmem>>) target_semaphore(%run_scoped3A : memref<!tpu.dma_semaphore, #tpu.memory_space<semaphore_mem>>)
      %dma_wait3A = arith.constant 0 : i32
      %dma_wait3A_34 = arith.constant 0 : i32
      %dma_wait3A_35 = tpu.memref_slice %arg4[%add3A, %dma_wait3A, %dma_wait3A_34] : memref<32x79x128xi32, #tpu.memory_space<hbm>> -> memref<1x79x128xi32, #tpu.memory_space<hbm>>
      %dma_wait3A_36 = tpu.memref_squeeze %dma_wait3A_35 : memref<1x79x128xi32, #tpu.memory_space<hbm>> -> memref<79x128xi32, #tpu.memory_space<hbm>>
      %dma_wait3A_37 = arith.constant 0 : i32
      %dma_wait3A_38 = arith.constant 0 : i32
      %dma_wait3A_39 = tpu.memref_slice %arg4[%add3A, %dma_wait3A_37, %dma_wait3A_38] : memref<32x79x128xi32, #tpu.memory_space<hbm>> -> memref<1x79x128xi32, #tpu.memory_space<hbm>>
      %dma_wait3A_40 = tpu.memref_squeeze %dma_wait3A_39 : memref<1x79x128xi32, #tpu.memory_space<hbm>> -> memref<79x128xi32, #tpu.memory_space<hbm>>
      tpu.wait_dma2 semaphore(%run_scoped3A : memref<!tpu.dma_semaphore, #tpu.memory_space<semaphore_mem>>) src(%dma_wait3A_40 : memref<79x128xi32, #tpu.memory_space<hbm>>) dst(%arg8 : memref<79x128xi32, #tpu.memory_space<vmem>>)
      tpu.yield
    }) : () -> ()
    "tpu.region"() ({
      %run_scoped3A = tpu.sem_alloc : memref<!tpu.dma_semaphore, #tpu.memory_space<semaphore_mem>>
      %dma_start3A = arith.constant 0 : i32
      %dma_start3A_27 = arith.constant 0 : i32
      %dma_start3A_28 = tpu.memref_slice %arg3[%add3A, %dma_start3A, %dma_start3A_27] : memref<32x5x64xi32, #tpu.memory_space<hbm>> -> memref<1x5x64xi32, #tpu.memory_space<hbm>>
      %dma_start3A_29 = tpu.memref_squeeze %dma_start3A_28 : memref<1x5x64xi32, #tpu.memory_space<hbm>> -> memref<5x64xi32, #tpu.memory_space<hbm>>
      %dma_start3A_30 = arith.constant 0 : i32
      %dma_start3A_31 = arith.constant 0 : i32
      %dma_start3A_32 = tpu.memref_slice %arg3[%add3A, %dma_start3A_30, %dma_start3A_31] : memref<32x5x64xi32, #tpu.memory_space<hbm>> -> memref<1x5x64xi32, #tpu.memory_space<hbm>>
      %dma_start3A_33 = tpu.memref_squeeze %dma_start3A_32 : memref<1x5x64xi32, #tpu.memory_space<hbm>> -> memref<5x64xi32, #tpu.memory_space<hbm>>
      tpu.enqueue_dma source(%dma_start3A_33 : memref<5x64xi32, #tpu.memory_space<hbm>>) target(%arg12 : memref<5x64xi32, #tpu.memory_space<vmem>>) target_semaphore(%run_scoped3A : memref<!tpu.dma_semaphore, #tpu.memory_space<semaphore_mem>>)
      %dma_wait3A = arith.constant 0 : i32
      %dma_wait3A_34 = arith.constant 0 : i32
      %dma_wait3A_35 = tpu.memref_slice %arg3[%add3A, %dma_wait3A, %dma_wait3A_34] : memref<32x5x64xi32, #tpu.memory_space<hbm>> -> memref<1x5x64xi32, #tpu.memory_space<hbm>>
      %dma_wait3A_36 = tpu.memref_squeeze %dma_wait3A_35 : memref<1x5x64xi32, #tpu.memory_space<hbm>> -> memref<5x64xi32, #tpu.memory_space<hbm>>
      %dma_wait3A_37 = arith.constant 0 : i32
      %dma_wait3A_38 = arith.constant 0 : i32
      %dma_wait3A_39 = tpu.memref_slice %arg3[%add3A, %dma_wait3A_37, %dma_wait3A_38] : memref<32x5x64xi32, #tpu.memory_space<hbm>> -> memref<1x5x64xi32, #tpu.memory_space<hbm>>
      %dma_wait3A_40 = tpu.memref_squeeze %dma_wait3A_39 : memref<1x5x64xi32, #tpu.memory_space<hbm>> -> memref<5x64xi32, #tpu.memory_space<hbm>>
      tpu.wait_dma2 semaphore(%run_scoped3A : memref<!tpu.dma_semaphore, #tpu.memory_space<semaphore_mem>>) src(%dma_wait3A_40 : memref<5x64xi32, #tpu.memory_space<hbm>>) dst(%arg12 : memref<5x64xi32, #tpu.memory_space<vmem>>)
      tpu.yield
    }) : () -> ()
    %broadcast_in_dim3A = arith.constant 0.000000e+00 : f32
    %broadcast_in_dim3A_1 = vector.broadcast %broadcast_in_dim3A : f32 to vector<16xf32>
    %scan3A = arith.constant 0 : i32
    %scan3A_2 = arith.constant 640 : i32
    %scan3A_3 = arith.addi %scan3A, %scan3A_2 : i32
    %scan3A_4 = arith.constant 1 : i32
    scf.for %scan3A_27 = %scan3A to %scan3A_3 step %scan3A_4  : i32 {
      %mul3A_28 = arith.constant 16 : i32
      %mul3A_29 = arith.muli %scan3A_27, %mul3A_28 : i32
      %add3A_30 = arith.constant 0 : i32
      %add3A_31 = arith.addi %add3A_30, %mul3A_29 : i32
      %swap3A = arith.index_cast %add3A_31 : i32 to index
      %swap3A_32 = tpu.vector_load %arg9[%swap3A] {strides = array<i32>} : memref<10240xf32, #tpu.memory_space<vmem>>, vector<16xf32>,
      tpu.vector_store %arg9[%swap3A], %broadcast_in_dim3A_1 {strides = array<i32>} : memref<10240xf32, #tpu.memory_space<vmem>>, vector<16xf32>,
    }
    %scan3A_5 = arith.constant 640 : i32
    %broadcast_in_dim3A_6 = arith.constant 1.000000e+00 : f32
    %broadcast_in_dim3A_7 = vector.broadcast %broadcast_in_dim3A_6 : f32 to vector<16xf32>
    %scan3A_8 = arith.constant 0 : i32
    %scan3A_9 = arith.constant 79 : i32
    %scan3A_10 = arith.addi %scan3A_8, %scan3A_9 : i32
    %scan3A_11 = arith.constant 1 : i32
    scf.for %scan3A_27 = %scan3A_8 to %scan3A_10 step %scan3A_11  : i32 {
      %mul3A_28 = arith.constant 1 : i32
      %mul3A_29 = arith.muli %scan3A_27, %mul3A_28 : i32
      %add3A_30 = arith.constant 0 : i32
      %add3A_31 = arith.addi %add3A_30, %mul3A_29 : i32
      %scan3A_32 = arith.constant 0 : i32
      %scan3A_33 = arith.constant 8 : i32
      %scan3A_34 = arith.addi %scan3A_32, %scan3A_33 : i32
      %scan3A_35 = arith.constant 1 : i32
      scf.for %scan3A_37 = %scan3A_32 to %scan3A_34 step %scan3A_35  : i32 {
        %mul3A_38 = arith.constant 16 : i32
        %mul3A_39 = arith.muli %scan3A_37, %mul3A_38 : i32
        %add3A_40 = arith.constant 0 : i32
        %add3A_41 = arith.addi %add3A_40, %mul3A_39 : i32
        %get3A = arith.index_cast %add3A_31 : i32 to index
        %get3A_42 = arith.index_cast %add3A_41 : i32 to index
        %get3A_43 = tpu.vector_load %arg8[%get3A, %get3A_42] {strides = array<i32>} : memref<79x128xi32, #tpu.memory_space<vmem>>, vector<16xi32>,
        tpu.vector_store_idx %arg9[%get3A_43], %broadcast_in_dim3A_7 {add = true} : memref<10240xf32, #tpu.memory_space<vmem>>[vector<16xi32>], vector<16xf32>,
      }
      %scan3A_36 = arith.constant 8 : i32
    }
    %scan3A_12 = arith.constant 79 : i32
    "tpu.region"() ({
      %run_scoped3A = tpu.sem_alloc : memref<!tpu.dma_semaphore, #tpu.memory_space<semaphore_mem>>
      %dma_start3A = arith.constant 0 : i32
      %dma_start3A_27 = tpu.memref_slice %arg7[%arg1, %dma_start3A] : memref<16x10240xf32, #tpu.memory_space<vmem_shared>> -> memref<1x10240xf32, #tpu.memory_space<vmem_shared>>
      %dma_start3A_28 = tpu.memref_squeeze %dma_start3A_27 : memref<1x10240xf32, #tpu.memory_space<vmem_shared>> -> memref<10240xf32, #tpu.memory_space<vmem_shared>>
      %dma_start3A_29 = arith.constant 0 : i32
      %dma_start3A_30 = tpu.memref_slice %arg7[%arg1, %dma_start3A_29] : memref<16x10240xf32, #tpu.memory_space<vmem_shared>> -> memref<1x10240xf32, #tpu.memory_space<vmem_shared>>
      %dma_start3A_31 = tpu.memref_squeeze %dma_start3A_30 : memref<1x10240xf32, #tpu.memory_space<vmem_shared>> -> memref<10240xf32, #tpu.memory_space<vmem_shared>>
      tpu.enqueue_dma source(%arg9 : memref<10240xf32, #tpu.memory_space<vmem>>) target(%dma_start3A_31 : memref<10240xf32, #tpu.memory_space<vmem_shared>>) target_semaphore(%run_scoped3A : memref<!tpu.dma_semaphore, #tpu.memory_space<semaphore_mem>>)
      %dma_wait3A = arith.constant 0 : i32
      %dma_wait3A_32 = tpu.memref_slice %arg7[%arg1, %dma_wait3A] : memref<16x10240xf32, #tpu.memory_space<vmem_shared>> -> memref<1x10240xf32, #tpu.memory_space<vmem_shared>>
      %dma_wait3A_33 = tpu.memref_squeeze %dma_wait3A_32 : memref<1x10240xf32, #tpu.memory_space<vmem_shared>> -> memref<10240xf32, #tpu.memory_space<vmem_shared>>
      %dma_wait3A_34 = arith.constant 0 : i32
      %dma_wait3A_35 = tpu.memref_slice %arg7[%arg1, %dma_wait3A_34] : memref<16x10240xf32, #tpu.memory_space<vmem_shared>> -> memref<1x10240xf32, #tpu.memory_space<vmem_shared>>
      %dma_wait3A_36 = tpu.memref_squeeze %dma_wait3A_35 : memref<1x10240xf32, #tpu.memory_space<vmem_shared>> -> memref<10240xf32, #tpu.memory_space<vmem_shared>>
      tpu.wait_dma2 semaphore(%run_scoped3A : memref<!tpu.dma_semaphore, #tpu.memory_space<semaphore_mem>>) src(%arg9 : memref<10240xf32, #tpu.memory_space<vmem>>) dst(%dma_wait3A_36 : memref<10240xf32, #tpu.memory_space<vmem_shared>>)
      tpu.yield
    }) : () -> ()
    %mul3A_13 = arith.constant 320 : i32
    %mul3A_14 = arith.muli %add3A, %mul3A_13 : i32
    %scan3A_15 = arith.constant 0 : i32
    %scan3A_16 = arith.constant 5 : i32
    %scan3A_17 = arith.addi %scan3A_15, %scan3A_16 : i32
    %scan3A_18 = arith.constant 1 : i32
    scf.for %scan3A_27 = %scan3A_15 to %scan3A_17 step %scan3A_18  : i32 {
      %mul3A_28 = arith.constant 1 : i32
      %mul3A_29 = arith.muli %scan3A_27, %mul3A_28 : i32
      %add3A_30 = arith.constant 0 : i32
      %add3A_31 = arith.addi %add3A_30, %mul3A_29 : i32
      "tpu.region"() ({
        %run_scoped3A = tpu.sem_alloc : memref<!tpu.dma_semaphore, #tpu.memory_space<semaphore_mem>>
        %dma_start3A = arith.constant 0 : i32
        %dma_start3A_35 = tpu.memref_slice %arg12[%add3A_31, %dma_start3A] : memref<5x64xi32, #tpu.memory_space<vmem>> -> memref<1x64xi32, #tpu.memory_space<vmem>>
        %dma_start3A_36 = tpu.memref_squeeze %dma_start3A_35 : memref<1x64xi32, #tpu.memory_space<vmem>> -> memref<64xi32, #tpu.memory_space<vmem>>
        %dma_start3A_37 = arith.constant 0 : i32
        %dma_start3A_38 = arith.constant 0 : i32
        %dma_start3A_39 = tpu.memref_slice %arg2[%dma_start3A_37, %dma_start3A_38] : memref<10000x128xf32, #tpu.memory_space<hbm>> -> memref<10000x128xf32, #tpu.memory_space<hbm>>
        tpu.enqueue_indirect_dma source(%dma_start3A_39 : memref<10000x128xf32, #tpu.memory_space<hbm>>) target(%arg13 : memref<64x128xf32, #tpu.memory_space<vmem>>) offsets(%dma_start3A_36 : memref<64xi32, #tpu.memory_space<vmem>>) semaphore(%run_scoped3A : memref<!tpu.dma_semaphore, #tpu.memory_space<semaphore_mem>>)
        %dma_wait3A = arith.constant 0 : i32
        %dma_wait3A_40 = tpu.memref_slice %arg12[%add3A_31, %dma_wait3A] : memref<5x64xi32, #tpu.memory_space<vmem>> -> memref<1x64xi32, #tpu.memory_space<vmem>>
        %dma_wait3A_41 = tpu.memref_squeeze %dma_wait3A_40 : memref<1x64xi32, #tpu.memory_space<vmem>> -> memref<64xi32, #tpu.memory_space<vmem>>
        %dma_wait3A_42 = arith.constant 0 : i32
        %dma_wait3A_43 = arith.constant 0 : i32
        %dma_wait3A_44 = tpu.memref_slice %arg2[%dma_wait3A_42, %dma_wait3A_43] : memref<10000x128xf32, #tpu.memory_space<hbm>> -> memref<10000x128xf32, #tpu.memory_space<hbm>>
        tpu.wait_indirect_dma semaphore(%run_scoped3A : memref<!tpu.dma_semaphore, #tpu.memory_space<semaphore_mem>>) src(%dma_wait3A_44 : memref<10000x128xf32, #tpu.memory_space<hbm>>) dst(%arg13 : memref<64x128xf32, #tpu.memory_space<vmem>>)
        tpu.yield
      }) : () -> ()
      %mul3A_32 = arith.constant 64 : i32
      %mul3A_33 = arith.muli %add3A_31, %mul3A_32 : i32
      %add3A_34 = arith.addi %mul3A_14, %mul3A_33 : i32
      "tpu.region"() ({
        %run_scoped3A = tpu.sem_alloc : memref<!tpu.dma_semaphore, #tpu.memory_space<semaphore_mem>>
        %dma_start3A = arith.constant 0 : i32
        %dma_start3A_35 = tpu.memref_slice %arg5[%add3A_34, %dma_start3A] : memref<10240x128xf32, #tpu.memory_space<hbm>> -> memref<64x128xf32, #tpu.memory_space<hbm>>
        %dma_start3A_36 = arith.constant 0 : i32
        %dma_start3A_37 = tpu.memref_slice %arg5[%add3A_34, %dma_start3A_36] : memref<10240x128xf32, #tpu.memory_space<hbm>> -> memref<64x128xf32, #tpu.memory_space<hbm>>
        tpu.enqueue_dma source(%arg13 : memref<64x128xf32, #tpu.memory_space<vmem>>) target(%dma_start3A_37 : memref<64x128xf32, #tpu.memory_space<hbm>>) target_semaphore(%run_scoped3A : memref<!tpu.dma_semaphore, #tpu.memory_space<semaphore_mem>>)
        %dma_wait3A = arith.constant 0 : i32
        %dma_wait3A_38 = tpu.memref_slice %arg5[%add3A_34, %dma_wait3A] : memref<10240x128xf32, #tpu.memory_space<hbm>> -> memref<64x128xf32, #tpu.memory_space<hbm>>
        %dma_wait3A_39 = arith.constant 0 : i32
        %dma_wait3A_40 = tpu.memref_slice %arg5[%add3A_34, %dma_wait3A_39] : memref<10240x128xf32, #tpu.memory_space<hbm>> -> memref<64x128xf32, #tpu.memory_space<hbm>>
        tpu.wait_dma2 semaphore(%run_scoped3A : memref<!tpu.dma_semaphore, #tpu.memory_space<semaphore_mem>>) src(%arg13 : memref<64x128xf32, #tpu.memory_space<vmem>>) dst(%dma_wait3A_40 : memref<64x128xf32, #tpu.memory_space<hbm>>)
        tpu.yield
      }) : () -> ()
    }
    %scan3A_19 = arith.constant 5 : i32
    %barrier3A = arith.constant 0 : index
    tpu.barrier barrier_id(%barrier3A)
    %mul3A_20 = arith.constant 640 : i32
    %mul3A_21 = arith.muli %arg1, %mul3A_20 : i32
    "tpu.region"() ({
      %run_scoped3A = tpu.sem_alloc : memref<!tpu.dma_semaphore, #tpu.memory_space<semaphore_mem>>
      %dma_start3A = arith.constant 0 : i32
      %dma_start3A_27 = tpu.memref_slice %arg7[%dma_start3A, %mul3A_21] : memref<16x10240xf32, #tpu.memory_space<vmem_shared>> -> memref<16x640xf32, #tpu.memory_space<vmem_shared>>
      %dma_start3A_28 = arith.constant 0 : i32
      %dma_start3A_29 = tpu.memref_slice %arg7[%dma_start3A_28, %mul3A_21] : memref<16x10240xf32, #tpu.memory_space<vmem_shared>> -> memref<16x640xf32, #tpu.memory_space<vmem_shared>>
      tpu.enqueue_dma source(%dma_start3A_29 : memref<16x640xf32, #tpu.memory_space<vmem_shared>>) target(%arg10 : memref<16x640xf32, #tpu.memory_space<vmem>>) target_semaphore(%run_scoped3A : memref<!tpu.dma_semaphore, #tpu.memory_space<semaphore_mem>>)
      %dma_wait3A = arith.constant 0 : i32
      %dma_wait3A_30 = tpu.memref_slice %arg7[%dma_wait3A, %mul3A_21] : memref<16x10240xf32, #tpu.memory_space<vmem_shared>> -> memref<16x640xf32, #tpu.memory_space<vmem_shared>>
      %dma_wait3A_31 = arith.constant 0 : i32
      %dma_wait3A_32 = tpu.memref_slice %arg7[%dma_wait3A_31, %mul3A_21] : memref<16x10240xf32, #tpu.memory_space<vmem_shared>> -> memref<16x640xf32, #tpu.memory_space<vmem_shared>>
      tpu.wait_dma2 semaphore(%run_scoped3A : memref<!tpu.dma_semaphore, #tpu.memory_space<semaphore_mem>>) src(%dma_wait3A_32 : memref<16x640xf32, #tpu.memory_space<vmem_shared>>) dst(%arg10 : memref<16x640xf32, #tpu.memory_space<vmem>>)
      tpu.yield
    }) : () -> ()
    %scan3A_22 = arith.constant 0 : i32
    %scan3A_23 = arith.constant 40 : i32
    %scan3A_24 = arith.addi %scan3A_22, %scan3A_23 : i32
    %scan3A_25 = arith.constant 1 : i32
    scf.for %scan3A_27 = %scan3A_22 to %scan3A_24 step %scan3A_25  : i32 {
      %mul3A_28 = arith.constant 16 : i32
      %mul3A_29 = arith.muli %scan3A_27, %mul3A_28 : i32
      %add3A_30 = arith.constant 0 : i32
      %add3A_31 = arith.addi %add3A_30, %mul3A_29 : i32
      %get3A = arith.constant 0 : i32
      %get3A_32 = arith.index_cast %get3A : i32 to index
      %get3A_33 = arith.index_cast %add3A_31 : i32 to index
      %get3A_34 = tpu.vector_load %arg10[%get3A_32, %get3A_33] {strides = array<i32>} : memref<16x640xf32, #tpu.memory_space<vmem>>, vector<16xf32>,
      %scan3A_35 = arith.constant 1 : i32
      %scan3A_36 = arith.constant 15 : i32
      %scan3A_37 = arith.addi %scan3A_35, %scan3A_36 : i32
      %scan3A_38 = arith.constant 1 : i32
      %scan3A_39 = scf.for %scan3A_42 = %scan3A_35 to %scan3A_37 step %scan3A_38 iter_args(%scan3A_43 = %get3A_34) -> (vector<16xf32>)  : i32 {
        %get3A_44 = arith.index_cast %scan3A_42 : i32 to index
        %get3A_45 = arith.index_cast %add3A_31 : i32 to index
        %get3A_46 = tpu.vector_load %arg10[%get3A_44, %get3A_45] {strides = array<i32>} : memref<16x640xf32, #tpu.memory_space<vmem>>, vector<16xf32>,
        %add3A_47 = arith.addf %scan3A_43, %get3A_46 : vector<16xf32>
        scf.yield %add3A_47 : vector<16xf32>
      }
      %scan3A_40 = arith.constant 15 : i32
      %swap3A = arith.index_cast %add3A_31 : i32 to index
      %swap3A_41 = tpu.vector_load %arg11[%swap3A] {strides = array<i32>} : memref<640xf32, #tpu.memory_space<vmem>>, vector<16xf32>,
      tpu.vector_store %arg11[%swap3A], %scan3A_39 {strides = array<i32>} : memref<640xf32, #tpu.memory_space<vmem>>, vector<16xf32>,
    }
    %scan3A_26 = arith.constant 40 : i32
    "tpu.region"() ({
      %run_scoped3A = tpu.sem_alloc : memref<!tpu.dma_semaphore, #tpu.memory_space<semaphore_mem>>
      %dma_start3A = tpu.memref_slice %arg6[%arg0, %mul3A_21] : memref<2x10240xf32, #tpu.memory_space<hbm>> -> memref<1x640xf32, #tpu.memory_space<hbm>>
      %dma_start3A_27 = tpu.memref_squeeze %dma_start3A : memref<1x640xf32, #tpu.memory_space<hbm>> -> memref<640xf32, #tpu.memory_space<hbm>>
      %dma_start3A_28 = tpu.memref_slice %arg6[%arg0, %mul3A_21] : memref<2x10240xf32, #tpu.memory_space<hbm>> -> memref<1x640xf32, #tpu.memory_space<hbm>>
      %dma_start3A_29 = tpu.memref_squeeze %dma_start3A_28 : memref<1x640xf32, #tpu.memory_space<hbm>> -> memref<640xf32, #tpu.memory_space<hbm>>
      tpu.enqueue_dma source(%arg11 : memref<640xf32, #tpu.memory_space<vmem>>) target(%dma_start3A_29 : memref<640xf32, #tpu.memory_space<hbm>>) target_semaphore(%run_scoped3A : memref<!tpu.dma_semaphore, #tpu.memory_space<semaphore_mem>>)
      %dma_wait3A = tpu.memref_slice %arg6[%arg0, %mul3A_21] : memref<2x10240xf32, #tpu.memory_space<hbm>> -> memref<1x640xf32, #tpu.memory_space<hbm>>
      %dma_wait3A_30 = tpu.memref_squeeze %dma_wait3A : memref<1x640xf32, #tpu.memory_space<hbm>> -> memref<640xf32, #tpu.memory_space<hbm>>
      %dma_wait3A_31 = tpu.memref_slice %arg6[%arg0, %mul3A_21] : memref<2x10240xf32, #tpu.memory_space<hbm>> -> memref<1x640xf32, #tpu.memory_space<hbm>>
      %dma_wait3A_32 = tpu.memref_squeeze %dma_wait3A_31 : memref<1x640xf32, #tpu.memory_space<hbm>> -> memref<640xf32, #tpu.memory_space<hbm>>
      tpu.wait_dma2 semaphore(%run_scoped3A : memref<!tpu.dma_semaphore, #tpu.memory_space<semaphore_mem>>) src(%arg11 : memref<640xf32, #tpu.memory_space<vmem>>) dst(%dma_wait3A_32 : memref<640xf32, #tpu.memory_space<hbm>>)
      tpu.yield
    }) : () -> ()
    return
  }
}

module attributes {stable_mosaic.version = 14 : i64} {
  func.func @_tc_u1_body(%arg0: memref<10240x128xf32, #tpu.memory_space<vmem>>, %arg1: memref<2x10240xf32, #tpu.memory_space<vmem>>, %arg2: memref<128x128xf32, #tpu.memory_space<vmem>>, %arg3: memref<10240x128xf32, #tpu.memory_space<vmem>>) attributes {dimension_semantics = [], scalar_prefetch = 0 : i64, scratch_operands = 0 : i64, tpu.core_type = #tpu.core_type<tc>} {
    %get3A = arith.constant 0 : index
    %get3A_0 = arith.constant 0 : index
    %get3A_1 = vector.load %arg1[%get3A, %get3A_0] : memref<2x10240xf32, #tpu.memory_space<vmem>>, vector<1x10240xf32>
    %get3A_2 = vector.shape_cast %get3A_1 : vector<1x10240xf32> to vector<10240xf32>
    %get3A_3 = arith.constant 1 : index
    %get3A_4 = arith.constant 0 : index
    %get3A_5 = vector.load %arg1[%get3A_3, %get3A_4] : memref<2x10240xf32, #tpu.memory_space<vmem>>, vector<1x10240xf32>
    %get3A_6 = vector.shape_cast %get3A_5 : vector<1x10240xf32> to vector<10240xf32>
    %add3A = arith.addf %get3A_2, %get3A_6 : vector<10240xf32>
    %add3A_7 = arith.constant 1.000000e+00 : f32
    %add3A_8 = vector.broadcast %add3A_7 : f32 to vector<10240xf32>
    %add3A_9 = arith.addf %add3A, %add3A_8 : vector<10240xf32>
    %rsqrt3A = math.rsqrt %add3A_9 : vector<10240xf32>
    %get3A_10 = arith.constant 0 : index
    %get3A_11 = arith.constant 0 : index
    %get3A_12 = vector.load %arg0[%get3A_10, %get3A_11] : memref<10240x128xf32, #tpu.memory_space<vmem>>, vector<10240x128xf32>
    %get3A_13 = arith.constant 0 : index
    %get3A_14 = arith.constant 0 : index
    %get3A_15 = vector.load %arg2[%get3A_13, %get3A_14] : memref<128x128xf32, #tpu.memory_space<vmem>>, vector<128x128xf32>
    %dot_general3A = arith.constant dense<0.000000e+00> : vector<10240x128xf32>
    %dot_general3A_16 = tpu.matmul %get3A_12, %get3A_15, %dot_general3A {dimension_numbers = #tpu.dot_dimension_numbers<[1], [0], [0], [1], [0, 0, 1, 1], [], []>, transpose_lhs_hint = false} : vector<10240x128xf32>, vector<128x128xf32>, vector<10240x128xf32> -> vector<10240x128xf32>
    %broadcast_in_dim3A = vector.shape_cast %rsqrt3A : vector<10240xf32> to vector<10240x1xf32>
    %mul3A = vector.broadcast %broadcast_in_dim3A : vector<10240x1xf32> to vector<10240x128xf32>
    %mul3A_17 = arith.mulf %mul3A, %dot_general3A_16 : vector<10240x128xf32>
    %swap3A = arith.constant 0 : index
    %swap3A_18 = arith.constant 0 : index
    %swap3A_19 = vector.load %arg3[%swap3A, %swap3A_18] : memref<10240x128xf32, #tpu.memory_space<vmem>>, vector<10240x128xf32>
    tpu.vector_store %arg3[%swap3A, %swap3A_18], %mul3A_17 {strides = array<i32>} : memref<10240x128xf32, #tpu.memory_space<vmem>>, vector<10240x128xf32>,
    return
  }
}

module attributes {stable_mosaic.version = 14 : i64} {
  func.func @_tc_mid_body(%arg0: memref<2x10240x128xf32, #tpu.memory_space<vmem>>, %arg1: memref<10240x128xf32, #tpu.memory_space<vmem>>, %arg2: memref<2x10240xf32, #tpu.memory_space<vmem>>, %arg3: memref<128x128xf32, #tpu.memory_space<vmem>>, %arg4: memref<1x128xf32, #tpu.memory_space<vmem>>, %arg5: memref<10240x128xf32, #tpu.memory_space<vmem>>) attributes {dimension_semantics = [], scalar_prefetch = 0 : i64, scratch_operands = 0 : i64, tpu.core_type = #tpu.core_type<tc>} {
    %get3A = arith.constant 0 : index
    %get3A_0 = arith.constant 0 : index
    %get3A_1 = vector.load %arg2[%get3A, %get3A_0] : memref<2x10240xf32, #tpu.memory_space<vmem>>, vector<1x10240xf32>
    %get3A_2 = vector.shape_cast %get3A_1 : vector<1x10240xf32> to vector<10240xf32>
    %get3A_3 = arith.constant 1 : index
    %get3A_4 = arith.constant 0 : index
    %get3A_5 = vector.load %arg2[%get3A_3, %get3A_4] : memref<2x10240xf32, #tpu.memory_space<vmem>>, vector<1x10240xf32>
    %get3A_6 = vector.shape_cast %get3A_5 : vector<1x10240xf32> to vector<10240xf32>
    %add3A = arith.addf %get3A_2, %get3A_6 : vector<10240xf32>
    %add3A_7 = arith.constant 1.000000e+00 : f32
    %add3A_8 = vector.broadcast %add3A_7 : f32 to vector<10240xf32>
    %add3A_9 = arith.addf %add3A, %add3A_8 : vector<10240xf32>
    %rsqrt3A = math.rsqrt %add3A_9 : vector<10240xf32>
    %broadcast_in_dim3A = vector.shape_cast %rsqrt3A : vector<10240xf32> to vector<10240x1xf32>
    %get3A_10 = arith.constant 0 : index
    %get3A_11 = arith.constant 0 : index
    %get3A_12 = arith.constant 0 : index
    %get3A_13 = vector.load %arg0[%get3A_10, %get3A_11, %get3A_12] : memref<2x10240x128xf32, #tpu.memory_space<vmem>>, vector<1x10240x128xf32>
    %get3A_14 = vector.shape_cast %get3A_13 : vector<1x10240x128xf32> to vector<10240x128xf32>
    %get3A_15 = arith.constant 1 : index
    %get3A_16 = arith.constant 0 : index
    %get3A_17 = arith.constant 0 : index
    %get3A_18 = vector.load %arg0[%get3A_15, %get3A_16, %get3A_17] : memref<2x10240x128xf32, #tpu.memory_space<vmem>>, vector<1x10240x128xf32>
    %get3A_19 = vector.shape_cast %get3A_18 : vector<1x10240x128xf32> to vector<10240x128xf32>
    %add3A_20 = arith.addf %get3A_14, %get3A_19 : vector<10240x128xf32>
    %get3A_21 = arith.constant 0 : index
    %get3A_22 = arith.constant 0 : index
    %get3A_23 = vector.load %arg1[%get3A_21, %get3A_22] : memref<10240x128xf32, #tpu.memory_space<vmem>>, vector<10240x128xf32>
    %add3A_24 = arith.addf %add3A_20, %get3A_23 : vector<10240x128xf32>
    %mul3A = vector.broadcast %broadcast_in_dim3A : vector<10240x1xf32> to vector<10240x128xf32>
    %mul3A_25 = arith.mulf %mul3A, %add3A_24 : vector<10240x128xf32>
    %get3A_26 = arith.constant 0 : index
    %get3A_27 = arith.constant 0 : index
    %get3A_28 = vector.load %arg4[%get3A_26, %get3A_27] : memref<1x128xf32, #tpu.memory_space<vmem>>, vector<1x128xf32>
    %add3A_29 = vector.broadcast %get3A_28 : vector<1x128xf32> to vector<10240x128xf32>
    %add3A_30 = arith.addf %mul3A_25, %add3A_29 : vector<10240x128xf32>
    %max3A = arith.constant 0.000000e+00 : f32
    %max3A_31 = vector.broadcast %max3A : f32 to vector<10240x128xf32>
    %max3A_32 = arith.maximumf %add3A_30, %max3A_31 : vector<10240x128xf32>
    %get3A_33 = arith.constant 0 : index
    %get3A_34 = arith.constant 0 : index
    %get3A_35 = vector.load %arg3[%get3A_33, %get3A_34] : memref<128x128xf32, #tpu.memory_space<vmem>>, vector<128x128xf32>
    %dot_general3A = arith.constant dense<0.000000e+00> : vector<10240x128xf32>
    %dot_general3A_36 = tpu.matmul %max3A_32, %get3A_35, %dot_general3A {dimension_numbers = #tpu.dot_dimension_numbers<[1], [0], [0], [1], [0, 0, 1, 1], [], []>, transpose_lhs_hint = false} : vector<10240x128xf32>, vector<128x128xf32>, vector<10240x128xf32> -> vector<10240x128xf32>
    %broadcast_in_dim3A_37 = vector.shape_cast %rsqrt3A : vector<10240xf32> to vector<10240x1xf32>
    %mul3A_38 = vector.broadcast %broadcast_in_dim3A_37 : vector<10240x1xf32> to vector<10240x128xf32>
    %mul3A_39 = arith.mulf %mul3A_38, %dot_general3A_36 : vector<10240x128xf32>
    %swap3A = arith.constant 0 : index
    %swap3A_40 = arith.constant 0 : index
    %swap3A_41 = vector.load %arg5[%swap3A, %swap3A_40] : memref<10240x128xf32, #tpu.memory_space<vmem>>, vector<10240x128xf32>
    tpu.vector_store %arg5[%swap3A, %swap3A_40], %mul3A_39 {strides = array<i32>} : memref<10240x128xf32, #tpu.memory_space<vmem>>, vector<10240x128xf32>,
    return
  }
}

module attributes {stable_mosaic.version = 14 : i64} {
  func.func @_tc_head_body(%arg0: memref<2x10240x128xf32, #tpu.memory_space<vmem>>, %arg1: memref<10240x128xf32, #tpu.memory_space<vmem>>, %arg2: memref<2x10240xf32, #tpu.memory_space<vmem>>, %arg3: memref<1x128xf32, #tpu.memory_space<vmem>>, %arg4: memref<1x10240xi32, #tpu.memory_space<vmem>>, %arg5: memref<128x128xf32, #tpu.memory_space<vmem>>, %arg6: memref<1x128xf32, #tpu.memory_space<vmem>>, %arg7: memref<128x1xf32, #tpu.memory_space<vmem>>, %arg8: memref<1x1xf32, #tpu.memory_space<vmem>>, %arg9: memref<256x1xf32, #tpu.memory_space<vmem>>) attributes {dimension_semantics = [], scalar_prefetch = 0 : i64, scratch_operands = 0 : i64, tpu.core_type = #tpu.core_type<tc>} {
    %get3A = arith.constant 0 : index
    %get3A_0 = arith.constant 0 : index
    %get3A_1 = vector.load %arg2[%get3A, %get3A_0] : memref<2x10240xf32, #tpu.memory_space<vmem>>, vector<1x10240xf32>
    %get3A_2 = vector.shape_cast %get3A_1 : vector<1x10240xf32> to vector<10240xf32>
    %get3A_3 = arith.constant 1 : index
    %get3A_4 = arith.constant 0 : index
    %get3A_5 = vector.load %arg2[%get3A_3, %get3A_4] : memref<2x10240xf32, #tpu.memory_space<vmem>>, vector<1x10240xf32>
    %get3A_6 = vector.shape_cast %get3A_5 : vector<1x10240xf32> to vector<10240xf32>
    %add3A = arith.addf %get3A_2, %get3A_6 : vector<10240xf32>
    %add3A_7 = arith.constant 1.000000e+00 : f32
    %add3A_8 = vector.broadcast %add3A_7 : f32 to vector<10240xf32>
    %add3A_9 = arith.addf %add3A, %add3A_8 : vector<10240xf32>
    %rsqrt3A = math.rsqrt %add3A_9 : vector<10240xf32>
    %broadcast_in_dim3A = vector.shape_cast %rsqrt3A : vector<10240xf32> to vector<10240x1xf32>
    %get3A_10 = arith.constant 0 : index
    %get3A_11 = arith.constant 0 : index
    %get3A_12 = arith.constant 0 : index
    %get3A_13 = vector.load %arg0[%get3A_10, %get3A_11, %get3A_12] : memref<2x10240x128xf32, #tpu.memory_space<vmem>>, vector<1x10240x128xf32>
    %get3A_14 = vector.shape_cast %get3A_13 : vector<1x10240x128xf32> to vector<10240x128xf32>
    %get3A_15 = arith.constant 1 : index
    %get3A_16 = arith.constant 0 : index
    %get3A_17 = arith.constant 0 : index
    %get3A_18 = vector.load %arg0[%get3A_15, %get3A_16, %get3A_17] : memref<2x10240x128xf32, #tpu.memory_space<vmem>>, vector<1x10240x128xf32>
    %get3A_19 = vector.shape_cast %get3A_18 : vector<1x10240x128xf32> to vector<10240x128xf32>
    %add3A_20 = arith.addf %get3A_14, %get3A_19 : vector<10240x128xf32>
    %get3A_21 = arith.constant 0 : index
    %get3A_22 = arith.constant 0 : index
    %get3A_23 = vector.load %arg1[%get3A_21, %get3A_22] : memref<10240x128xf32, #tpu.memory_space<vmem>>, vector<10240x128xf32>
    %add3A_24 = arith.addf %add3A_20, %get3A_23 : vector<10240x128xf32>
    %mul3A = vector.broadcast %broadcast_in_dim3A : vector<10240x1xf32> to vector<10240x128xf32>
    %mul3A_25 = arith.mulf %mul3A, %add3A_24 : vector<10240x128xf32>
    %get3A_26 = arith.constant 0 : index
    %get3A_27 = arith.constant 0 : index
    %get3A_28 = vector.load %arg3[%get3A_26, %get3A_27] : memref<1x128xf32, #tpu.memory_space<vmem>>, vector<1x128xf32>
    %add3A_29 = vector.broadcast %get3A_28 : vector<1x128xf32> to vector<10240x128xf32>
    %add3A_30 = arith.addf %mul3A_25, %add3A_29 : vector<10240x128xf32>
    %max3A = arith.constant 0.000000e+00 : f32
    %max3A_31 = vector.broadcast %max3A : f32 to vector<10240x128xf32>
    %max3A_32 = arith.maximumf %add3A_30, %max3A_31 : vector<10240x128xf32>
    %get3A_33 = arith.constant 0 : index
    %get3A_34 = arith.constant 0 : index
    %get3A_35 = vector.load %arg4[%get3A_33, %get3A_34] : memref<1x10240xi32, #tpu.memory_space<vmem>>, vector<1x10240xi32>
    %get3A_36 = vector.shape_cast %get3A_35 : vector<1x10240xi32> to vector<10240xi32>
    %iota3A = tpu.iota {dimensions = array<i32: 0>} : vector<256x10240xi32>
    %broadcast_in_dim3A_37 = vector.shape_cast %get3A_36 : vector<10240xi32> to vector<1x10240xi32>
    %eq3A = vector.broadcast %broadcast_in_dim3A_37 : vector<1x10240xi32> to vector<256x10240xi32>
    %eq3A_38 = arith.cmpi eq, %eq3A, %iota3A : vector<256x10240xi32>
    %convert_element_type3A = arith.extui %eq3A_38 : vector<256x10240xi1> to vector<256x10240xi32>
    %convert_element_type3A_39 = arith.sitofp %convert_element_type3A : vector<256x10240xi32> to vector<256x10240xf32>
    %reduce_sum3A = arith.constant dense<0.000000e+00> : vector<256xf32>
    %reduce_sum3A_40 = vector.multi_reduction <add>, %convert_element_type3A_39, %reduce_sum3A [1] : vector<256x10240xf32> to vector<256xf32>
    %dot_general3A = arith.constant dense<0.000000e+00> : vector<256x128xf32>
    %dot_general3A_41 = tpu.matmul %convert_element_type3A_39, %max3A_32, %dot_general3A {dimension_numbers = #tpu.dot_dimension_numbers<[1], [0], [0], [1], [0, 0, 1, 1], [], []>, transpose_lhs_hint = false} : vector<256x10240xf32>, vector<10240x128xf32>, vector<256x128xf32> -> vector<256x128xf32>
    %max3A_42 = arith.constant 1.000000e+00 : f32
    %max3A_43 = vector.broadcast %max3A_42 : f32 to vector<256xf32>
    %max3A_44 = arith.maximumf %reduce_sum3A_40, %max3A_43 : vector<256xf32>
    %broadcast_in_dim3A_45 = vector.shape_cast %max3A_44 : vector<256xf32> to vector<256x1xf32>
    %div3A = vector.broadcast %broadcast_in_dim3A_45 : vector<256x1xf32> to vector<256x128xf32>
    %div3A_46 = arith.divf %dot_general3A_41, %div3A : vector<256x128xf32>
    %get3A_47 = arith.constant 0 : index
    %get3A_48 = arith.constant 0 : index
    %get3A_49 = vector.load %arg5[%get3A_47, %get3A_48] : memref<128x128xf32, #tpu.memory_space<vmem>>, vector<128x128xf32>
    %dot_general3A_50 = arith.constant dense<0.000000e+00> : vector<256x128xf32>
    %dot_general3A_51 = tpu.matmul %div3A_46, %get3A_49, %dot_general3A_50 {dimension_numbers = #tpu.dot_dimension_numbers<[1], [0], [0], [1], [0, 0, 1, 1], [], []>, transpose_lhs_hint = false} : vector<256x128xf32>, vector<128x128xf32>, vector<256x128xf32> -> vector<256x128xf32>
    %get3A_52 = arith.constant 0 : index
    %get3A_53 = arith.constant 0 : index
    %get3A_54 = vector.load %arg6[%get3A_52, %get3A_53] : memref<1x128xf32, #tpu.memory_space<vmem>>, vector<1x128xf32>
    %add3A_55 = vector.broadcast %get3A_54 : vector<1x128xf32> to vector<256x128xf32>
    %add3A_56 = arith.addf %dot_general3A_51, %add3A_55 : vector<256x128xf32>
    %max3A_57 = arith.constant 0.000000e+00 : f32
    %max3A_58 = vector.broadcast %max3A_57 : f32 to vector<256x128xf32>
    %max3A_59 = arith.maximumf %add3A_56, %max3A_58 : vector<256x128xf32>
    %get3A_60 = arith.constant 0 : index
    %get3A_61 = arith.constant 0 : index
    %get3A_62 = vector.load %arg7[%get3A_60, %get3A_61] : memref<128x1xf32, #tpu.memory_space<vmem>>, vector<128x1xf32>
    %dot_general3A_63 = arith.constant dense<0.000000e+00> : vector<256x1xf32>
    %dot_general3A_64 = tpu.matmul %max3A_59, %get3A_62, %dot_general3A_63 {dimension_numbers = #tpu.dot_dimension_numbers<[1], [0], [0], [1], [0, 0, 1, 1], [], []>, transpose_lhs_hint = false} : vector<256x128xf32>, vector<128x1xf32>, vector<256x1xf32> -> vector<256x1xf32>
    %get3A_65 = arith.constant 0 : index
    %get3A_66 = arith.constant 0 : index
    %get3A_67 = vector.load %arg8[%get3A_65, %get3A_66] : memref<1x1xf32, #tpu.memory_space<vmem>>, vector<1x1xf32>
    %add3A_68 = vector.broadcast %get3A_67 : vector<1x1xf32> to vector<256x1xf32>
    %add3A_69 = arith.addf %dot_general3A_64, %add3A_68 : vector<256x1xf32>
    %logistic3A = arith.negf %add3A_69 : vector<256x1xf32>
    %logistic3A_70 = math.exp %logistic3A : vector<256x1xf32>
    %logistic3A_71 = arith.constant 1.000000e+00 : f32
    %logistic3A_72 = vector.broadcast %logistic3A_71 : f32 to vector<256x1xf32>
    %logistic3A_73 = arith.addf %logistic3A_72, %logistic3A_70 : vector<256x1xf32>
    %logistic3A_74 = arith.divf %logistic3A_72, %logistic3A_73 : vector<256x1xf32>
    %swap3A = arith.constant 0 : index
    %swap3A_75 = arith.constant 0 : index
    %swap3A_76 = vector.load %arg9[%swap3A, %swap3A_75] : memref<256x1xf32, #tpu.memory_space<vmem>>, vector<256x1xf32>
    tpu.vector_store %arg9[%swap3A, %swap3A_75], %logistic3A_74 {strides = array<i32>} : memref<256x1xf32, #tpu.memory_space<vmem>>, vector<256x1xf32>,
    return
  }
}

</mosaic_0001>

<sc_bundles>
// kernel: kernel.11.cloned.1.call-start
scs
__scs_entry_jumppad:
0x0: {  	(pc) =	sbr.rel $0x88, $3  }
0x1: {  	(tag) =	ssettag $0x0;
	lr =	simm.s32 $0x1  }
0x2: {  	[smem:$0x3F95] =	sst lr;
	_ =	strace $0xD0000000  }
0x3: {  	_ = 	snop  }
0x4: {  	_ = 	snop  }
0x5: {  	_ = 	snop  }
0x6: {  	_ = 	snop  }
0x7: {  	_ = 	snop  }
__scs_overlays_trampoline_lowered:
0x8: {  	[smem:$0x3FA4] =	sst s0  }
0x9: {  	[smem:$0x3FA5] =	sst s1  }
0xa: {  	[smem:$0x3FA6] =	sst s2  }
0xb: {  	[smem:$0x3FA7] =	sst s3  }
0xc: {  	[smem:$0x3FA8] =	sst s4  }
0xd: {  	[smem:$0x3FA9] =	sst s5  }
0xe: {  	[smem:$0x3FAA] =	sst s6  }
0xf: {  	[smem:$0x3FAB] =	sst s7  }
0x10: {  	[smem:$0x3FAC] =	sst s8  }
0x11: {  	[smem:$0x3FAD] =	sst s9;
	s0 =	simm.s32 @!p0 $0x0  }
0x12: {  	s1 =	sld [smem:$0x3F93];
	s0 =	simm.s32 @p0 $0x1  }
0x13: {  	[smem:$0x3FAE] =	sst s0;
	s0 =	simm.s32 @!p1 $0x0  }
0x14: {  	s2 =	sld [smem:$0x3F92];
	s0 =	simm.s32 @p1 $0x1  }
0x15: {  	[smem:$0x3FAF] =	sst s0;
	s0 =	simm.s32 @!p2 $0x0  }
0x16: {  	s3 =	sld [smem:$0x3FDB];
	s0 =	simm.s32 @p2 $0x1  }
0x17: {  	s4 =	simm.s32 $0x1BF5;
	[smem:$0x3FB1] =	sst s0  }
0x18: {  	s0 =	sld [smem:$0x3F94];
	_ =	swait.ge [sflag:s4], $0x0  }
0x19: {  	s7 =	sld [smem:$0x3F95]  }
0x1a: {  	s8 =	sadd.s32 $0xFFFFE003, lr  }
0x1b: {  	s9 =	sadd.s32 $0xFFFFFEF7, lr;
	s5 =	simm.s32 $0xFFFFFFFF;
	p2 =	slt.u32 s8, $0xFFFFF086  }
0x1c: {  	p1 =	slt.u32 s9, $0xF7A;
	s5 =	simm.s32 @!p2 $0x0  }
0x1d: {  	s5 =	simm.s32 @p1 $0x1;
	p0 =	seq.s32 s7, s2  }
0x1e: {  	s7 =	smul.u32 @!p0 $0xF7A, s2;
	p2 =	seq.s32 @!p0 s5, $0x0  }
0x1f: {  	s9 =	smul.u32 $0xF7A, s1;
	s8 =	simm.s32 @!p0 $0x1BF5;
	p2 =	por !p2, p0  }
0x20: {  	[sflag:s8] =	ssyncset.s32 @!p0 $0xFFFFF086;
	s6 =	sadd.s32 @!p0 s3, s7;
	s7 =	simm.s32 @!p0 $0x108  }
0x21: {  	s3 =	sadd.s32 s3, s9;
	s6 =	sadd.s32 @!p0 $0x88, s6;
	s7 =	simm.s32 @p2 $0x1082  }
0x22: {  	[simem:s7], [sflag:s8] =	dma.local @!p0 [hbm:s6], $0xF7A  }
0x23: {  	s9 =	sor.u32 $0xD0000000, s2;
	s6 =	simm.s32 $0x108;
	_ =	swait.ge @!p0 [sflag:s8], $0x0  }
0x24: {  	s3 =	sadd.s32 $0x88, s3;
	s6 =	simm.s32 @!p1 $0x1082;
	[sflag:s4] =	ssyncset.s32 $0xFFFFF086  }
0x25: {  	[simem:s6], [sflag:s4] =	dma.local [hbm:s3], $0xF7A  }
0x26: {  	[smem:$0x3F95] =	sst s1;
	(tag) =	ssettag s2;
	_ =	strace s9  }
0x27: {  	s1 =	sld [smem:$0x3FA5]  }
0x28: {  	s2 =	sld [smem:$0x3FA6]  }
0x29: {  	s4 =	sld [smem:$0x3FA8]  }
0x2a: {  	p0 =	seq.s32 s5, $0x0;
	s5 =	sld [smem:$0x3FA9]  }
0x2b: {  	s6 =	sld [smem:$0x3FAA]  }
0x2c: {  	s7 =	sld [smem:$0x3FAB]  }
0x2d: {  	s3 =	simm.s32 $0x108;
	s8 =	sld [smem:$0x3FAC]  }
0x2e: {  	s3 =	simm.s32 @!p0 $0x1082;
	s9 =	sld [smem:$0x3FAD]  }
0x2f: {  	lr =	sadd.s32 s0, s3;
	s0 =	sld [smem:$0x3FA4]  }
0x30: {  	s3 =	sld [smem:$0x3FA7]  }
0x31: {  	[smem:$0x3FB0] =	sst s10  }
0x32: {  	s10 =	sld [smem:$0x3FAE];
	_ =	sdelay $0x3  }
0x33: {  	p0 =	seq.s32 s10, $0x1;
	s10 =	sld [smem:$0x3FB0];
	_ =	sdelay $0x3  }
0x34: {  	[smem:$0x3FB0] =	sst s10  }
0x35: {  	s10 =	sld [smem:$0x3FAF];
	_ =	sdelay $0x3  }
0x36: {  	p1 =	seq.s32 s10, $0x1;
	s10 =	sld [smem:$0x3FB0];
	_ =	sdelay $0x3  }
0x37: {  	[smem:$0x3FB0] =	sst s10  }
0x38: {  	s10 =	sld [smem:$0x3FB1]  }
0x39: {  	_ = 	snop;
	(pc) =	sbr.ind lr, $3  }
0x3a: {  	_ = 	snop  }
0x3b: {  	_ = 	snop  }
0x3c: {  	p2 =	seq.s32 s10, $0x1;
	s10 =	sld [smem:$0x3FB0]  }
0x3d: {  	_ =	shalt  }
0x3e: {  	_ =	shalt  }
0x3f: {  	_ =	shalt  }
0x40: {  	_ =	shalt  }
0x41: {  	_ =	shalt  }
0x42: {  	_ =	shalt  }
0x43: {  	_ =	shalt  }
0x44: {  	_ =	shalt  }
0x45: {  	_ =	shalt  }
0x46: {  	_ =	shalt  }
0x47: {  	_ =	shalt  }
0x48: {  	_ =	shalt  }
0x49: {  	_ =	shalt  }
0x4a: {  	_ =	shalt  }
0x4b: {  	_ =	shalt  }
0x4c: {  	_ =	shalt  }
0x4d: {  	_ =	shalt  }
0x4e: {  	_ =	shalt  }
0x4f: {  	_ =	shalt  }
0x50: {  	_ =	shalt  }
0x51: {  	_ =	shalt  }
0x52: {  	_ =	shalt  }
0x53: {  	_ =	shalt  }
0x54: {  	_ =	shalt  }
0x55: {  	_ =	shalt  }
0x56: {  	_ =	shalt  }
0x57: {  	_ =	shalt  }
0x58: {  	_ =	shalt  }
0x59: {  	_ =	shalt  }
0x5a: {  	_ =	shalt  }
0x5b: {  	_ =	shalt  }
0x5c: {  	_ =	shalt  }
0x5d: {  	_ =	shalt  }
0x5e: {  	_ =	shalt  }
0x5f: {  	_ =	shalt  }
0x60: {  	_ =	shalt  }
0x61: {  	_ =	shalt  }
0x62: {  	_ =	shalt  }
0x63: {  	_ =	shalt  }
0x64: {  	_ =	shalt  }
0x65: {  	_ =	shalt  }
0x66: {  	_ =	shalt  }
0x67: {  	_ =	shalt  }
0x68: {  	_ =	shalt  }
0x69: {  	_ =	shalt  }
0x6a: {  	_ =	shalt  }
0x6b: {  	_ =	shalt  }
0x6c: {  	_ =	shalt  }
0x6d: {  	_ =	shalt  }
0x6e: {  	_ =	shalt  }
0x6f: {  	_ =	shalt  }
0x70: {  	_ =	shalt  }
0x71: {  	_ =	shalt  }
0x72: {  	_ =	shalt  }
0x73: {  	_ =	shalt  }
0x74: {  	_ =	shalt  }
0x75: {  	_ =	shalt  }
0x76: {  	_ =	shalt  }
0x77: {  	_ =	shalt  }
0x78: {  	_ =	shalt  }
0x79: {  	_ =	shalt  }
0x7a: {  	_ =	shalt  }
0x7b: {  	_ =	shalt  }
0x7c: {  	_ =	shalt  }
0x7d: {  	_ =	shalt  }
0x7e: {  	_ =	shalt  }
0x7f: {  	_ =	shalt  }
0x80: {  	_ =	shalt  }
0x81: {  	_ =	shalt  }
0x82: {  	_ =	shalt  }
0x83: {  	_ =	shalt  }
0x84: {  	_ =	shalt  }
0x85: {  	_ =	shalt  }
0x86: {  	_ =	shalt  }
0x87: {  	_ =	shalt  }
.Lfunc_end0:
.L_simem_size_0:
called_computation.1_lowered:
.L_overlay_start_0:
0x88: {  	s2 =	sld [smem:$0x3FD9]  }
0x89: {  	s3 =	sld [smem:$0x3FFE];
	_ =	sdelay $0x1  }
0x8a: {  	s1 =	srdreg.scid  }
0x8b: {  	s0 =	sand.u32 $0x1, s1  }
0x8c: {  	s16 =	sshll.u32 s0, $0xA;
	s2 =	sadd.s32 s3, s2  }
0x8d: {  	s2 =	sadd.s32 s2, s16  }
0x8e: {  	[smem:$0x3FBC] =	sst s2  }
0x8f: {  	_ = 	snop  }
0x90: {  	(tm) =	ssettm $0x1  }
0x91: {  	s17 =	sld [smem:$0x3FFB];
	_ =	sdelay $0x3  }
0x92: {  	_ =	strace s17  }
0x93: {  	s2 =	sld [smem:$0x3FFC];
	_ =	sdelay $0x3  }
0x94: {  	_ =	strace s2  }
0x95: {  	s2 =	sld [smem:$0x3FFD];
	_ =	sdelay $0x3  }
0x96: {  	_ =	strace s2  }
0x97: {  	_ =	strace $0x8FFFFFFF  }
0x98: {  	s18 =	sld [smem:$0x3FDB];
	_ =	sdelay $0x1  }
0x99: {  	s19 =	simm.s32 $_scs_section_size  }
0x9a: {  	s4 =	simm.s32 $_size__tile_overlayer_lowered;
	s5 =	simm.s32 $_tile_overlayer_lowered  }
0x9b: {  	s22 =	simm.s32 $0x1BFF;
	s21 =	sshll.u32 s5, $0x1;
	s2 =	sadd.s32 s19, s18  }
0x9c: {  	s6 =	simm.s32 $0x0;
	s20 =	sshll.u32 s4, $0x1;
	s4 =	sadd.s32 s21, s2  }
0x9d: {  	[timem:s6], [sflag:s22] =	dma.local [hbm:s4], s20  }
0x9e: {  	_ =	swait.ge [sflag:s22], s20  }
0x9f: {  	s3 =	ssub.s32 $0x0, s20;
	[sflag:s22] =	ssyncset.done $0x0  }
0xa0: {  	[sflag:s22] =	ssyncadd.s32 s3;
	_ =	sdelay $0x1  }
0xa1: {  	s23 =	simm.s32 $0x1B8B  }
0xa2: {  	_ =	swait.ge [sflag:s23], $0x1  }
0xa3: {  	[sflag:s23] =	ssyncset.done $0x0  }
0xa4: {  	s25 =	simm.s32 $0x1B8E;
	s24 =	sld [smem:$0x3FFE];
	[sflag:s23] =	ssyncadd.s32 $0xFFFFFFFF  }
0xa5: {  	s26 =	simm.s32 $execute0_lowered;
	[smem:$0x3FD2] =	sst s25  }
0xa6: {  	s4 =	sshll.u32 s26, $0x1;
	_ =	strace $0x80000049;
	[dreg:$0x1] =	wrdreg $0xFFFFFFFF  }
0xa7: {  	s28 =	simm.s32 $_size_execute0_lowered;
	s2 =	sadd.s32 s2, s4;
	[dreg:$0x0] =	wrdreg $0x0  }
0xa8: {  	s4 =	sshll.u32 s28, $0x1;
	[dreg:$0x2] =	wrdreg s2  }
0xa9: {  	[dreg:$0x3] =	wrdreg s4  }
0xaa: {  	[dreg:$0x4] =	wrdreg $0xC0  }
0xab: {  	_ =	task [dreg:s6], $0x5FFFF  }
0xac: {  	[dreg:$0x1] =	wrdreg $0xFFFFFFFF  }
0xad: {  	[dreg:$0x0] =	wrdreg $0x60  }
0xae: {  	[dreg:$0x2] =	wrdreg s24  }
0xaf: {  	[dreg:$0x3] =	wrdreg $0x0  }
0xb0: {  	[dreg:$0x4] =	wrdreg $0x9  }
0xb1: {  	_ =	task.clear_ibuf [dreg:s6], $0x5FFFF;
	_ =	strace $0x90000049  }
0xb2: {  	s29 =	simm.s32 $0x9;
	_ =	strace $0x8000004B  }
0xb3: {  	_ =	swait.ge [sflag:s29], $0x1  }
0xb4: {  	[sflag:s29] =	ssyncadd.s32 $0xFFFFFFFF  }
0xb5: {  	_ =	strace $0x9000004B  }
0xb6: {  	_ =	sfence  }
0xb7: {  	s30 =	sld [smem:$0x0];
	_ =	sdelay $0x2  }
0xb8: {  	s31 =	sshll.u32 s1, $0xD;
	s1 =	sshrl.u32 s1, $0x2  }
0xb9: {  	s3 =	sand.u32 $0x4000, s31;
	s1 =	sadd.s32 s1, s30  }
0xba: {  	s0 =	sor.u32 s3, s0;
	s1 =	sshll.u32 s1, $0x11  }
0xbb: {  	s0 =	sor.u32 s1, s0  }
0xbc: {  	s0 =	sadd.s32 $0x8F2B, s0  }
0xbd: {  	[sflag:s0] =	ssyncadd.remote.s32 $0x1  }
0xbe: {  	_ =	sfence.sel $0xFFFF  }
0xbf: {  	[dreg:$0x0] =	wrdreg $0xFFFFFFFF;
	(pc) =	sbr.abs _section_cstart, $3  }
0xc0: {  	[dreg:$0x1] =	wrdreg $0xFFFFFFFF  }
0xc1: {  	_ =	task.clear_ibuf [dreg:s6], $0x2FFFF;
	_ =	strace $0x9FFFFFFF  }
0xc2: {  	(tm) =	ssettm $0x7FFFFFFF  }
0xc3: {  	_ =	shalt  }
tec
execute0_lowered:
.L_overlay_start_1:
0x0: {  	(tag) =	ssettag $0x1  }
0x1: {  	s5 =	rddreg [dreg:$0x0]  }
0x2: {  	s1 =	rddreg [dreg:$0x1]  }
0x3: {  	s2 =	srdreg.scid;
	s0 =	rddreg [dreg:$0x2];
	s3 =	simm.s32 $0x0  }
0x4: {  	s14 =	simm.s32 $0x19000;
	s15 =	simm.s32 $0x1;
	s16 =	simm.s32 $0x14000  }
0x5: {  	s17 =	simm.s32 $0x16800;
	s6 =	sand.u32 $0x1, s2;
	s2 =	stileid.u32  }
0x6: {  	s18 =	simm.s32 $0x80;
	[smem:$0x7FF] =	sst s3;
	s7 =	smul.u32 $0x140000, s6  }
0x7: {  	s4 =	sshll.u32 s6, $0x4;
	s8 =	smul.u32 $0x14000, s2;
	_ =	strace $0x8000004A  }
0x8: {  	s29 =	smul.u32 $0x50000, s2;
	s6 =	ssub.s32 $0x2, s6;
	s19 =	sshll.u32 s2, $0x6  }
0x9: {  	s4 =	sor.u32 s2, s4;
	s30 =	sshrl.u32 s6, $0x1;
	s19 =	sor.u32 $0x1C01, s19  }
0xa: {  	s9 =	smul.u32 $0x500, s4;
	s4 =	sadd.s32 $0xC000, s5;
	s7 =	sadd.s32 s8, s7  }
0xb: {  	s31 =	sshrl.u32 s29, $0x2;
	s11 =	ssub.s32 s6, s30;
	s7 =	sshrl.u32 s7, $0x3  }
0xc: {  	s9 =	sadd.s32 s9, s5;
	s10 =	sadd.s32 s7, s5;
	s5 =	sadd.s32 s31, s1  }
0xd: {  	s6 =	sadd.s32 $0x35A00, s9;
	s7 =	sadd.s32 $0x2000, s9;
	s8 =	sadd.s32 $0x3FA00, s10  }
0xe: {  	s9 =	smax.u32 s11, $0x1;
	s10 =	sadd.s32 $0x4000, s5;
	s11 =	sadd.s32 $0x8000, s5  }
0xf: {  	v0 =	vimm.f32 $0.0e+00;
	s12 =	sadd.s32 $0xC000, s5;
	s13 =	sadd.s32 $0x10000, s5;
	s20 =	sshrl.u32 s5, $0x3  }
.LBB2_1:
0x10: {  	s21 =	simm.s32 $0x0;
	s22 =	simm.s32 $0x200  }
.LBB2_2:
0x11: {  	p0 =	sne.s32 s22, $0xFE00;
	[tilespmem:s21+$0x19070] =	vst v0  }
0x12: {  	[tilespmem:s21+$0x19000] =	vst v0  }
0x13: {  	[tilespmem:s21+$0x19010] =	vst v0  }
.Ltmp0:
0x14: {  	[tilespmem:s21+$0x19020] =	vst v0;
	(pc) =	sbr.rel @p0 .LBB2_2-.Ltmp0, $4  }
0x15: {  	[tilespmem:s21+$0x19030] =	vst v0  }
0x16: {  	[tilespmem:s21+$0x19040] =	vst v0  }
0x17: {  	[tilespmem:s21+$0x19050] =	vst v0  }
0x18: {  	[tilespmem:s21+$0x19060] =	vst v0;
	s21 =	sshra.s32 s22, $0x2;
	s22 =	sadd.s32 $0x200, s22  }
0x19: {  	[tilespmem:s21+$0x19070] =	vst v0  }
0x1a: {  	[tilespmem:s21+$0x19000] =	vst v0  }
0x1b: {  	[tilespmem:s21+$0x19010] =	vst v0  }
0x1c: {  	[tilespmem:s21+$0x19020] =	vst v0  }
0x1d: {  	[tilespmem:s21+$0x19030] =	vst v0  }
0x1e: {  	[tilespmem:s21+$0x19040] =	vst v0  }
0x1f: {  	[tilespmem:s21+$0x19050] =	vst v0  }
0x20: {  	[tilespmem:s21+$0x19060] =	vst v0  }
0x21: {  	[spmem:s5] =	stream.linear.scatter [tilespmem:s14], [sflag:$0x1], $0x4000, $0x38;
	[tilespmem:$0x1D000] =	vst v63  }
0x22: {  	_ =	swait.ge [sflag:s15], $0x4000  }
0x23: {  	[sflag:s15] =	ssyncset.done $0x0  }
0x24: {  	[sflag:s15] =	ssyncadd.s32 $0xFFFFC000  }
0x25: {  	[spmem:s10] =	stream.linear.scatter [tilespmem:s14], [sflag:$0x1], $0x4000, $0x38;
	[tilespmem:$0x1D000] =	vst v63  }
0x26: {  	_ =	swait.ge [sflag:s15], $0x4000  }
0x27: {  	[sflag:s15] =	ssyncset.done $0x0  }
0x28: {  	[sflag:s15] =	ssyncadd.s32 $0xFFFFC000  }
0x29: {  	[spmem:s11] =	stream.linear.scatter [tilespmem:s14], [sflag:$0x1], $0x4000, $0x38;
	[tilespmem:$0x1D000] =	vst v63  }
0x2a: {  	_ =	swait.ge [sflag:s15], $0x4000  }
0x2b: {  	[sflag:s15] =	ssyncset.done $0x0  }
0x2c: {  	[sflag:s15] =	ssyncadd.s32 $0xFFFFC000  }
0x2d: {  	[spmem:s12] =	stream.linear.scatter [tilespmem:s14], [sflag:$0x1], $0x4000, $0x38;
	[tilespmem:$0x1D000] =	vst v63  }
0x2e: {  	_ =	swait.ge [sflag:s15], $0x4000  }
0x2f: {  	[sflag:s15] =	ssyncset.done $0x0  }
0x30: {  	[sflag:s15] =	ssyncadd.s32 $0xFFFFC000  }
0x31: {  	[spmem:s13] =	stream.linear.scatter [tilespmem:s14], [sflag:$0x1], $0x4000, $0x38;
	[tilespmem:$0x1D000] =	vst v63  }
0x32: {  	_ =	swait.ge [sflag:s15], $0x4000  }
0x33: {  	[sflag:s15] =	ssyncset.done $0x0  }
0x34: {  	[sflag:s15] =	ssyncadd.s32 $0xFFFFC000  }
0x35: {  	s29 =	simm.s32 $0x0;
	[bflag:$0x0] =	sbarrier.arrive $0xFFFF  }
0x36: {  	[tilespmem:s16], [sflag:$0x1] =	stream.linear.gather [hbm4b:s6+s29], $0x2780, $0x38;
	[tilespmem:$0x1D000] =	vst v63  }
0x37: {  	_ =	swait.ge [sflag:s15], $0x2780  }
0x38: {  	[sflag:s15] =	ssyncset.done $0x0  }
0x39: {  	[sflag:s15] =	ssyncadd.s32 $0xFFFFD880  }
0x3a: {  	[tilespmem:s17], [sflag:$0x1] =	stream.linear.gather [hbm4b:s7+s29], $0x2780, $0x38;
	[tilespmem:$0x1D000] =	vst v63  }
0x3b: {  	_ =	swait.ge [sflag:s15], $0x2780  }
0x3c: {  	[sflag:s15] =	ssyncset.done $0x0  }
0x3d: {  	s30 =	simm.s32 $0x14000;
	[sflag:s15] =	ssyncadd.s32 $0xFFFFD880  }
0x3e: {  	[tilespmem:s14], [sflag:$0x1] =	stream.indirect.gather [hbm4b:s4+s18], $0x80, s30, s18, $0xb8;
	[tilespmem:$0x1D000] =	vst v63  }
0x3f: {  	_ =	swait.ge [sflag:s15], $0x4000  }
0x40: {  	[sflag:s15] =	ssyncset.done $0x0  }
0x41: {  	s31 =	simm.s32 $0x16800;
	[sflag:s15] =	ssyncadd.s32 $0xFFFFC000  }
0x42: {  	[spmem:s1] =	stream.indirect.scatter.add.f32 [tilespmem:s14], [sflag:$0x1], $0x80, s31, s18, $0xb8;
	[tilespmem:$0x1D000] =	vst v63  }
0x43: {  	_ =	swait.ge [sflag:s15], $0x4000  }
0x44: {  	s22 =	simm.s32 $0x400;
	s21 =	simm.s32 $0x80;
	[sflag:s15] =	ssyncset.done $0x0  }
.LBB2_4:
0x45: {  	s23 =	sadd.s32 $0x14000, s21  }
0x46: {  	[sflag:s15] =	ssyncadd.s32 $0xFFFFC000;
	s24 =	smov.u32 s22;
	s25 =	sadd.s32 $0x200, s22  }
0x47: {  	[tilespmem:s14], [sflag:$0x1] =	stream.indirect.gather [hbm4b:s4+s18], $0x80, s23, s18, $0xb8;
	[tilespmem:$0x1D000] =	vst v63  }
0x48: {  	p0 =	sne.s32 s22, $0x9C00;
	_ =	swait.ge [sflag:s15], $0x4000  }
.Ltmp1:
0x49: {  	[sflag:s15] =	ssyncset.done $0x0;
	(pc) =	sbr.rel @p0 .LBB2_4-.Ltmp1, $4  }
0x4a: {  	s21 =	sadd.s32 $0x16800, s21;
	[sflag:s15] =	ssyncadd.s32 $0xFFFFC000  }
0x4b: {  	[spmem:s1] =	stream.indirect.scatter.add.f32 [tilespmem:s14], [sflag:$0x1], $0x80, s21, s18, $0xb8;
	[tilespmem:$0x1D000] =	vst v63  }
0x4c: {  	_ =	swait.ge [sflag:s15], $0x4000  }
0x4d: {  	s22 =	smov.u32 s25;
	s21 =	sshra.s32 s24, $0x2;
	[sflag:s15] =	ssyncset.done $0x0  }
0x4e: {  	s22 =	sadd.s32 $0x14000, s21;
	[sflag:s15] =	ssyncadd.s32 $0xFFFFC000  }
0x4f: {  	[tilespmem:s14], [sflag:$0x1] =	stream.indirect.gather [hbm4b:s4+s18], $0x80, s22, s18, $0xb8;
	[tilespmem:$0x1D000] =	vst v63  }
0x50: {  	_ =	swait.ge [sflag:s15], $0x4000  }
0x51: {  	[sflag:s15] =	ssyncset.done $0x0  }
0x52: {  	s31 =	sadd.s32 $0x16800, s21;
	[sflag:s15] =	ssyncadd.s32 $0xFFFFC000  }
0x53: {  	[spmem:s1] =	stream.indirect.scatter.add.f32 [tilespmem:s14], [sflag:$0x1], $0x80, s31, s18, $0xb8;
	[tilespmem:$0x1D000] =	vst v63  }
0x54: {  	_ =	swait.ge [sflag:s15], $0x4000  }
0x55: {  	s3 =	sadd.s32 $0x1, s3;
	[sflag:s15] =	ssyncset.done $0x0  }
0x56: {  	p0 =	sne.s32 s3, s9;
	[sflag:s15] =	ssyncadd.s32 $0xFFFFC000  }
.Ltmp2:
0x57: {  	[bflag:$0x0] =	sbarrier.arrive $0xFFFF;
	(pc) =	sbr.rel @p0 .LBB2_1-.Ltmp2, $4  }
0x58: {  	[hbm:s8], [sflag:s19] =	dma.local [spmem:s20], $0x2800  }
0x59: {  	_ =	swait.ge [sflag:s15], $0x2800  }
0x5a: {  	[sflag:s15] =	ssyncset.done $0x0  }
0x5b: {  	[sflag:s15] =	ssyncadd.s32 $0xFFFFD800  }
0x5c: {  	_ =	sfence.sel $0x180000  }
0x5d: {  	[bflag:$0x0] =	sbarrier.arrive $0xFFFF  }
0x5e: {  	p0 =	sne.s32 s2, $0x0;
	_ =	strace $0x9000004A  }
0x5f: {  	s0 =	sadd.s32 @!p0 $0x100000, s0;
	[bflag:$0x2] =	sbarrier.arrive $0xFFFF  }
0x60: {  	[sflag:s0] =	ssyncadd.tile.s32 @!p0 $0x1;
	_ =	shalt  }
.Lfunc_end2:
_tile_overlayer_lowered:
.L_overlay_start_2:
0x61: {  	(tag) =	ssettag $0x2  }
0x62: {  	s0 =	rddreg [dreg:$0x0];
	s2 =	stileid.u32  }
0x63: {  	s1 =	rddreg [dreg:$0x1];
	p0 =	sne.s32 s2, $0x0  }
0x64: {  	s3 =	rddreg [dreg:$0x2];
	[bflag:$0x3] =	sbarrier.arrive $0xFFFF;
	s2 =	simm.s32 @!p0 $0x1C01  }
0x65: {  	[timem:s3], [sflag:s2] =	dma.local @!p0 [hbm:s0], s1  }
0x66: {  	s0 =	simm.s32 @!p0 $0x1  }
0x67: {  	_ =	swait.ge @!p0 [sflag:s0], s1  }
0x68: {  	s1 =	ssub.s32 @!p0 $0x0, s1;
	[sflag:s0] =	ssyncset.done @!p0 $0x0  }
0x69: {  	[sflag:s0] =	ssyncadd.s32 @!p0 s1  }
0x6a: {  	[bflag:$0x3] =	sbarrier.arrive $0xFFFF  }
0x6b: {  	_ =	shalt  }

// kernel: kernel.14.cloned.1.call-start
scs
__scs_entry_jumppad:
0x0: {  	(pc) =	sbr.rel $0x88, $3  }
0x1: {  	(tag) =	ssettag $0x0;
	lr =	simm.s32 $0x1  }
0x2: {  	[smem:$0x3F95] =	sst lr;
	_ =	strace $0xD0000000  }
0x3: {  	_ = 	snop  }
0x4: {  	_ = 	snop  }
0x5: {  	_ = 	snop  }
0x6: {  	_ = 	snop  }
0x7: {  	_ = 	snop  }
__scs_overlays_trampoline_lowered:
0x8: {  	[smem:$0x3FA4] =	sst s0  }
0x9: {  	[smem:$0x3FA5] =	sst s1  }
0xa: {  	[smem:$0x3FA6] =	sst s2  }
0xb: {  	[smem:$0x3FA7] =	sst s3  }
0xc: {  	[smem:$0x3FA8] =	sst s4  }
0xd: {  	[smem:$0x3FA9] =	sst s5  }
0xe: {  	[smem:$0x3FAA] =	sst s6  }
0xf: {  	[smem:$0x3FAB] =	sst s7  }
0x10: {  	[smem:$0x3FAC] =	sst s8  }
0x11: {  	[smem:$0x3FAD] =	sst s9;
	s0 =	simm.s32 @!p0 $0x0  }
0x12: {  	s1 =	sld [smem:$0x3F93];
	s0 =	simm.s32 @p0 $0x1  }
0x13: {  	[smem:$0x3FAE] =	sst s0;
	s0 =	simm.s32 @!p1 $0x0  }
0x14: {  	s2 =	sld [smem:$0x3F92];
	s0 =	simm.s32 @p1 $0x1  }
0x15: {  	[smem:$0x3FAF] =	sst s0;
	s0 =	simm.s32 @!p2 $0x0  }
0x16: {  	s3 =	sld [smem:$0x3FDB];
	s0 =	simm.s32 @p2 $0x1  }
0x17: {  	s4 =	simm.s32 $0x1BF5;
	[smem:$0x3FB1] =	sst s0  }
0x18: {  	s0 =	sld [smem:$0x3F94];
	_ =	swait.ge [sflag:s4], $0x0  }
0x19: {  	s7 =	sld [smem:$0x3F95]  }
0x1a: {  	s8 =	sadd.s32 $0xFFFFE003, lr  }
0x1b: {  	s9 =	sadd.s32 $0xFFFFFEF7, lr;
	s5 =	simm.s32 $0xFFFFFFFF;
	p2 =	slt.u32 s8, $0xFFFFF086  }
0x1c: {  	p1 =	slt.u32 s9, $0xF7A;
	s5 =	simm.s32 @!p2 $0x0  }
0x1d: {  	s5 =	simm.s32 @p1 $0x1;
	p0 =	seq.s32 s7, s2  }
0x1e: {  	s7 =	smul.u32 @!p0 $0xF7A, s2;
	p2 =	seq.s32 @!p0 s5, $0x0  }
0x1f: {  	s9 =	smul.u32 $0xF7A, s1;
	s8 =	simm.s32 @!p0 $0x1BF5;
	p2 =	por !p2, p0  }
0x20: {  	[sflag:s8] =	ssyncset.s32 @!p0 $0xFFFFF086;
	s6 =	sadd.s32 @!p0 s3, s7;
	s7 =	simm.s32 @!p0 $0x108  }
0x21: {  	s3 =	sadd.s32 s3, s9;
	s6 =	sadd.s32 @!p0 $0x88, s6;
	s7 =	simm.s32 @p2 $0x1082  }
0x22: {  	[simem:s7], [sflag:s8] =	dma.local @!p0 [hbm:s6], $0xF7A  }
0x23: {  	s9 =	sor.u32 $0xD0000000, s2;
	s6 =	simm.s32 $0x108;
	_ =	swait.ge @!p0 [sflag:s8], $0x0  }
0x24: {  	s3 =	sadd.s32 $0x88, s3;
	s6 =	simm.s32 @!p1 $0x1082;
	[sflag:s4] =	ssyncset.s32 $0xFFFFF086  }
0x25: {  	[simem:s6], [sflag:s4] =	dma.local [hbm:s3], $0xF7A  }
0x26: {  	[smem:$0x3F95] =	sst s1;
	(tag) =	ssettag s2;
	_ =	strace s9  }
0x27: {  	s1 =	sld [smem:$0x3FA5]  }
0x28: {  	s2 =	sld [smem:$0x3FA6]  }
0x29: {  	s4 =	sld [smem:$0x3FA8]  }
0x2a: {  	p0 =	seq.s32 s5, $0x0;
	s5 =	sld [smem:$0x3FA9]  }
0x2b: {  	s6 =	sld [smem:$0x3FAA]  }
0x2c: {  	s7 =	sld [smem:$0x3FAB]  }
0x2d: {  	s3 =	simm.s32 $0x108;
	s8 =	sld [smem:$0x3FAC]  }
0x2e: {  	s3 =	simm.s32 @!p0 $0x1082;
	s9 =	sld [smem:$0x3FAD]  }
0x2f: {  	lr =	sadd.s32 s0, s3;
	s0 =	sld [smem:$0x3FA4]  }
0x30: {  	s3 =	sld [smem:$0x3FA7]  }
0x31: {  	[smem:$0x3FB0] =	sst s10  }
0x32: {  	s10 =	sld [smem:$0x3FAE];
	_ =	sdelay $0x3  }
0x33: {  	p0 =	seq.s32 s10, $0x1;
	s10 =	sld [smem:$0x3FB0];
	_ =	sdelay $0x3  }
0x34: {  	[smem:$0x3FB0] =	sst s10  }
0x35: {  	s10 =	sld [smem:$0x3FAF];
	_ =	sdelay $0x3  }
0x36: {  	p1 =	seq.s32 s10, $0x1;
	s10 =	sld [smem:$0x3FB0];
	_ =	sdelay $0x3  }
0x37: {  	[smem:$0x3FB0] =	sst s10  }
0x38: {  	s10 =	sld [smem:$0x3FB1]  }
0x39: {  	_ = 	snop;
	(pc) =	sbr.ind lr, $3  }
0x3a: {  	_ = 	snop  }
0x3b: {  	_ = 	snop  }
0x3c: {  	p2 =	seq.s32 s10, $0x1;
	s10 =	sld [smem:$0x3FB0]  }
0x3d: {  	_ =	shalt  }
0x3e: {  	_ =	shalt  }
0x3f: {  	_ =	shalt  }
0x40: {  	_ =	shalt  }
0x41: {  	_ =	shalt  }
0x42: {  	_ =	shalt  }
0x43: {  	_ =	shalt  }
0x44: {  	_ =	shalt  }
0x45: {  	_ =	shalt  }
0x46: {  	_ =	shalt  }
0x47: {  	_ =	shalt  }
0x48: {  	_ =	shalt  }
0x49: {  	_ =	shalt  }
0x4a: {  	_ =	shalt  }
0x4b: {  	_ =	shalt  }
0x4c: {  	_ =	shalt  }
0x4d: {  	_ =	shalt  }
0x4e: {  	_ =	shalt  }
0x4f: {  	_ =	shalt  }
0x50: {  	_ =	shalt  }
0x51: {  	_ =	shalt  }
0x52: {  	_ =	shalt  }
0x53: {  	_ =	shalt  }
0x54: {  	_ =	shalt  }
0x55: {  	_ =	shalt  }
0x56: {  	_ =	shalt  }
0x57: {  	_ =	shalt  }
0x58: {  	_ =	shalt  }
0x59: {  	_ =	shalt  }
0x5a: {  	_ =	shalt  }
0x5b: {  	_ =	shalt  }
0x5c: {  	_ =	shalt  }
0x5d: {  	_ =	shalt  }
0x5e: {  	_ =	shalt  }
0x5f: {  	_ =	shalt  }
0x60: {  	_ =	shalt  }
0x61: {  	_ =	shalt  }
0x62: {  	_ =	shalt  }
0x63: {  	_ =	shalt  }
0x64: {  	_ =	shalt  }
0x65: {  	_ =	shalt  }
0x66: {  	_ =	shalt  }
0x67: {  	_ =	shalt  }
0x68: {  	_ =	shalt  }
0x69: {  	_ =	shalt  }
0x6a: {  	_ =	shalt  }
0x6b: {  	_ =	shalt  }
0x6c: {  	_ =	shalt  }
0x6d: {  	_ =	shalt  }
0x6e: {  	_ =	shalt  }
0x6f: {  	_ =	shalt  }
0x70: {  	_ =	shalt  }
0x71: {  	_ =	shalt  }
0x72: {  	_ =	shalt  }
0x73: {  	_ =	shalt  }
0x74: {  	_ =	shalt  }
0x75: {  	_ =	shalt  }
0x76: {  	_ =	shalt  }
0x77: {  	_ =	shalt  }
0x78: {  	_ =	shalt  }
0x79: {  	_ =	shalt  }
0x7a: {  	_ =	shalt  }
0x7b: {  	_ =	shalt  }
0x7c: {  	_ =	shalt  }
0x7d: {  	_ =	shalt  }
0x7e: {  	_ =	shalt  }
0x7f: {  	_ =	shalt  }
0x80: {  	_ =	shalt  }
0x81: {  	_ =	shalt  }
0x82: {  	_ =	shalt  }
0x83: {  	_ =	shalt  }
0x84: {  	_ =	shalt  }
0x85: {  	_ =	shalt  }
0x86: {  	_ =	shalt  }
0x87: {  	_ =	shalt  }
.Lfunc_end0:
.L_simem_size_0:
called_computation.2_lowered:
.L_overlay_start_0:
0x88: {  	s2 =	sld [smem:$0x3FD9]  }
0x89: {  	s3 =	sld [smem:$0x3FFE];
	_ =	sdelay $0x1  }
0x8a: {  	s1 =	srdreg.scid  }
0x8b: {  	s0 =	sand.u32 $0x1, s1  }
0x8c: {  	s16 =	sshll.u32 s0, $0xA;
	s2 =	sadd.s32 s3, s2  }
0x8d: {  	s2 =	sadd.s32 s2, s16  }
0x8e: {  	[smem:$0x3FBC] =	sst s2  }
0x8f: {  	_ = 	snop  }
0x90: {  	(tm) =	ssettm $0x1  }
0x91: {  	s17 =	sld [smem:$0x3FFB];
	_ =	sdelay $0x3  }
0x92: {  	_ =	strace s17  }
0x93: {  	s2 =	sld [smem:$0x3FFC];
	_ =	sdelay $0x3  }
0x94: {  	_ =	strace s2  }
0x95: {  	s2 =	sld [smem:$0x3FFD];
	_ =	sdelay $0x3  }
0x96: {  	_ =	strace s2  }
0x97: {  	_ =	strace $0x8FFFFFFF  }
0x98: {  	s18 =	sld [smem:$0x3FDB];
	_ =	sdelay $0x1  }
0x99: {  	s19 =	simm.s32 $_scs_section_size  }
0x9a: {  	s4 =	simm.s32 $_size__tile_overlayer_lowered;
	s5 =	simm.s32 $_tile_overlayer_lowered  }
0x9b: {  	s22 =	simm.s32 $0x1BFF;
	s21 =	sshll.u32 s5, $0x1;
	s2 =	sadd.s32 s19, s18  }
0x9c: {  	s6 =	simm.s32 $0x0;
	s20 =	sshll.u32 s4, $0x1;
	s4 =	sadd.s32 s21, s2  }
0x9d: {  	[timem:s6], [sflag:s22] =	dma.local [hbm:s4], s20  }
0x9e: {  	_ =	swait.ge [sflag:s22], s20  }
0x9f: {  	s3 =	ssub.s32 $0x0, s20;
	[sflag:s22] =	ssyncset.done $0x0  }
0xa0: {  	[sflag:s22] =	ssyncadd.s32 s3;
	_ =	sdelay $0x1  }
0xa1: {  	s23 =	simm.s32 $0x1B8B  }
0xa2: {  	_ =	swait.ge [sflag:s23], $0x1  }
0xa3: {  	[sflag:s23] =	ssyncset.done $0x0  }
0xa4: {  	s25 =	simm.s32 $0x1B8E;
	s24 =	sld [smem:$0x3FFE];
	[sflag:s23] =	ssyncadd.s32 $0xFFFFFFFF  }
0xa5: {  	s26 =	simm.s32 $execute0_lowered;
	[smem:$0x3FD2] =	sst s25  }
0xa6: {  	s4 =	sshll.u32 s26, $0x1;
	_ =	strace $0x8000004C;
	[dreg:$0x1] =	wrdreg $0xFFFFFFFF  }
0xa7: {  	s28 =	simm.s32 $_size_execute0_lowered;
	s2 =	sadd.s32 s2, s4;
	[dreg:$0x0] =	wrdreg $0x0  }
0xa8: {  	s4 =	sshll.u32 s28, $0x1;
	[dreg:$0x2] =	wrdreg s2  }
0xa9: {  	[dreg:$0x3] =	wrdreg s4  }
0xaa: {  	[dreg:$0x4] =	wrdreg $0xC0  }
0xab: {  	_ =	task [dreg:s6], $0x5FFFF  }
0xac: {  	[dreg:$0x1] =	wrdreg $0xFFFFFFFF  }
0xad: {  	[dreg:$0x0] =	wrdreg $0x60  }
0xae: {  	[dreg:$0x2] =	wrdreg s24  }
0xaf: {  	[dreg:$0x3] =	wrdreg $0x0  }
0xb0: {  	[dreg:$0x4] =	wrdreg $0x9  }
0xb1: {  	_ =	task.clear_ibuf [dreg:s6], $0x5FFFF;
	_ =	strace $0x9000004C  }
0xb2: {  	s29 =	simm.s32 $0x9;
	_ =	strace $0x8000004E  }
0xb3: {  	_ =	swait.ge [sflag:s29], $0x1  }
0xb4: {  	[sflag:s29] =	ssyncadd.s32 $0xFFFFFFFF  }
0xb5: {  	_ =	strace $0x9000004E  }
0xb6: {  	_ =	sfence  }
0xb7: {  	s30 =	sld [smem:$0x0];
	_ =	sdelay $0x2  }
0xb8: {  	s31 =	sshll.u32 s1, $0xD;
	s1 =	sshrl.u32 s1, $0x2  }
0xb9: {  	s3 =	sand.u32 $0x4000, s31;
	s1 =	sadd.s32 s1, s30  }
0xba: {  	s0 =	sor.u32 s3, s0;
	s1 =	sshll.u32 s1, $0x11  }
0xbb: {  	s0 =	sor.u32 s1, s0  }
0xbc: {  	s0 =	sadd.s32 $0x8F2B, s0  }
0xbd: {  	[sflag:s0] =	ssyncadd.remote.s32 $0x1  }
0xbe: {  	_ =	sfence.sel $0xFFFF  }
0xbf: {  	[dreg:$0x0] =	wrdreg $0xFFFFFFFF;
	(pc) =	sbr.abs _section_cstart, $3  }
0xc0: {  	[dreg:$0x1] =	wrdreg $0xFFFFFFFF  }
0xc1: {  	_ =	task.clear_ibuf [dreg:s6], $0x2FFFF;
	_ =	strace $0x9FFFFFFF  }
0xc2: {  	(tm) =	ssettm $0x7FFFFFFF  }
0xc3: {  	_ =	shalt  }
tec
execute0_lowered:
.L_overlay_start_1:
0x0: {  	(tag) =	ssettag $0x1  }
0x1: {  	s5 =	rddreg [dreg:$0x0]  }
0x2: {  	s1 =	rddreg [dreg:$0x1]  }
0x3: {  	s2 =	srdreg.scid;
	s0 =	rddreg [dreg:$0x2];
	s3 =	simm.s32 $0x0  }
0x4: {  	s14 =	simm.s32 $0x19000;
	s15 =	simm.s32 $0x1;
	s16 =	simm.s32 $0x14000  }
0x5: {  	s17 =	simm.s32 $0x16800;
	s6 =	sand.u32 $0x1, s2;
	s2 =	stileid.u32  }
0x6: {  	s18 =	simm.s32 $0x80;
	[smem:$0x7FF] =	sst s3;
	s7 =	smul.u32 $0x140000, s6  }
0x7: {  	s4 =	sshll.u32 s6, $0x4;
	s8 =	smul.u32 $0x14000, s2;
	_ =	strace $0x8000004D  }
0x8: {  	s29 =	smul.u32 $0x50000, s2;
	s6 =	ssub.s32 $0x2, s6;
	s19 =	sshll.u32 s2, $0x6  }
0x9: {  	s4 =	sor.u32 s2, s4;
	s30 =	sshrl.u32 s6, $0x1;
	s19 =	sor.u32 $0x1C01, s19  }
0xa: {  	s9 =	smul.u32 $0x500, s4;
	s4 =	sadd.s32 $0xC000, s5;
	s7 =	sadd.s32 s8, s7  }
0xb: {  	s31 =	sshrl.u32 s29, $0x2;
	s11 =	ssub.s32 s6, s30;
	s7 =	sshrl.u32 s7, $0x3  }
0xc: {  	s9 =	sadd.s32 s9, s5;
	s10 =	sadd.s32 s7, s5;
	s5 =	sadd.s32 s31, s1  }
0xd: {  	s6 =	sadd.s32 $0x35A00, s9;
	s7 =	sadd.s32 $0x2000, s9;
	s8 =	sadd.s32 $0x3FA00, s10  }
0xe: {  	s9 =	smax.u32 s11, $0x1;
	s10 =	sadd.s32 $0x4000, s5;
	s11 =	sadd.s32 $0x8000, s5  }
0xf: {  	v0 =	vimm.f32 $0.0e+00;
	s12 =	sadd.s32 $0xC000, s5;
	s13 =	sadd.s32 $0x10000, s5;
	s20 =	sshrl.u32 s5, $0x3  }
.LBB2_1:
0x10: {  	s21 =	simm.s32 $0x0;
	s22 =	simm.s32 $0x200  }
.LBB2_2:
0x11: {  	p0 =	sne.s32 s22, $0xFE00;
	[tilespmem:s21+$0x19070] =	vst v0  }
0x12: {  	[tilespmem:s21+$0x19000] =	vst v0  }
0x13: {  	[tilespmem:s21+$0x19010] =	vst v0  }
.Ltmp0:
0x14: {  	[tilespmem:s21+$0x19020] =	vst v0;
	(pc) =	sbr.rel @p0 .LBB2_2-.Ltmp0, $4  }
0x15: {  	[tilespmem:s21+$0x19030] =	vst v0  }
0x16: {  	[tilespmem:s21+$0x19040] =	vst v0  }
0x17: {  	[tilespmem:s21+$0x19050] =	vst v0  }
0x18: {  	[tilespmem:s21+$0x19060] =	vst v0;
	s21 =	sshra.s32 s22, $0x2;
	s22 =	sadd.s32 $0x200, s22  }
0x19: {  	[tilespmem:s21+$0x19070] =	vst v0  }
0x1a: {  	[tilespmem:s21+$0x19000] =	vst v0  }
0x1b: {  	[tilespmem:s21+$0x19010] =	vst v0  }
0x1c: {  	[tilespmem:s21+$0x19020] =	vst v0  }
0x1d: {  	[tilespmem:s21+$0x19030] =	vst v0  }
0x1e: {  	[tilespmem:s21+$0x19040] =	vst v0  }
0x1f: {  	[tilespmem:s21+$0x19050] =	vst v0  }
0x20: {  	[tilespmem:s21+$0x19060] =	vst v0  }
0x21: {  	[spmem:s5] =	stream.linear.scatter [tilespmem:s14], [sflag:$0x1], $0x4000, $0x38;
	[tilespmem:$0x1D000] =	vst v63  }
0x22: {  	_ =	swait.ge [sflag:s15], $0x4000  }
0x23: {  	[sflag:s15] =	ssyncset.done $0x0  }
0x24: {  	[sflag:s15] =	ssyncadd.s32 $0xFFFFC000  }
0x25: {  	[spmem:s10] =	stream.linear.scatter [tilespmem:s14], [sflag:$0x1], $0x4000, $0x38;
	[tilespmem:$0x1D000] =	vst v63  }
0x26: {  	_ =	swait.ge [sflag:s15], $0x4000  }
0x27: {  	[sflag:s15] =	ssyncset.done $0x0  }
0x28: {  	[sflag:s15] =	ssyncadd.s32 $0xFFFFC000  }
0x29: {  	[spmem:s11] =	stream.linear.scatter [tilespmem:s14], [sflag:$0x1], $0x4000, $0x38;
	[tilespmem:$0x1D000] =	vst v63  }
0x2a: {  	_ =	swait.ge [sflag:s15], $0x4000  }
0x2b: {  	[sflag:s15] =	ssyncset.done $0x0  }
0x2c: {  	[sflag:s15] =	ssyncadd.s32 $0xFFFFC000  }
0x2d: {  	[spmem:s12] =	stream.linear.scatter [tilespmem:s14], [sflag:$0x1], $0x4000, $0x38;
	[tilespmem:$0x1D000] =	vst v63  }
0x2e: {  	_ =	swait.ge [sflag:s15], $0x4000  }
0x2f: {  	[sflag:s15] =	ssyncset.done $0x0  }
0x30: {  	[sflag:s15] =	ssyncadd.s32 $0xFFFFC000  }
0x31: {  	[spmem:s13] =	stream.linear.scatter [tilespmem:s14], [sflag:$0x1], $0x4000, $0x38;
	[tilespmem:$0x1D000] =	vst v63  }
0x32: {  	_ =	swait.ge [sflag:s15], $0x4000  }
0x33: {  	[sflag:s15] =	ssyncset.done $0x0  }
0x34: {  	[sflag:s15] =	ssyncadd.s32 $0xFFFFC000  }
0x35: {  	s29 =	simm.s32 $0x0;
	[bflag:$0x0] =	sbarrier.arrive $0xFFFF  }
0x36: {  	[tilespmem:s16], [sflag:$0x1] =	stream.linear.gather [hbm4b:s6+s29], $0x2780, $0x38;
	[tilespmem:$0x1D000] =	vst v63  }
0x37: {  	_ =	swait.ge [sflag:s15], $0x2780  }
0x38: {  	[sflag:s15] =	ssyncset.done $0x0  }
0x39: {  	[sflag:s15] =	ssyncadd.s32 $0xFFFFD880  }
0x3a: {  	[tilespmem:s17], [sflag:$0x1] =	stream.linear.gather [hbm4b:s7+s29], $0x2780, $0x38;
	[tilespmem:$0x1D000] =	vst v63  }
0x3b: {  	_ =	swait.ge [sflag:s15], $0x2780  }
0x3c: {  	[sflag:s15] =	ssyncset.done $0x0  }
0x3d: {  	s30 =	simm.s32 $0x14000;
	[sflag:s15] =	ssyncadd.s32 $0xFFFFD880  }
0x3e: {  	[tilespmem:s14], [sflag:$0x1] =	stream.indirect.gather [hbm4b:s4+s18], $0x80, s30, s18, $0xb8;
	[tilespmem:$0x1D000] =	vst v63  }
0x3f: {  	_ =	swait.ge [sflag:s15], $0x4000  }
0x40: {  	[sflag:s15] =	ssyncset.done $0x0  }
0x41: {  	s31 =	simm.s32 $0x16800;
	[sflag:s15] =	ssyncadd.s32 $0xFFFFC000  }
0x42: {  	[spmem:s1] =	stream.indirect.scatter.add.f32 [tilespmem:s14], [sflag:$0x1], $0x80, s31, s18, $0xb8;
	[tilespmem:$0x1D000] =	vst v63  }
0x43: {  	_ =	swait.ge [sflag:s15], $0x4000  }
0x44: {  	s22 =	simm.s32 $0x400;
	s21 =	simm.s32 $0x80;
	[sflag:s15] =	ssyncset.done $0x0  }
.LBB2_4:
0x45: {  	s23 =	sadd.s32 $0x14000, s21  }
0x46: {  	[sflag:s15] =	ssyncadd.s32 $0xFFFFC000;
	s24 =	smov.u32 s22;
	s25 =	sadd.s32 $0x200, s22  }
0x47: {  	[tilespmem:s14], [sflag:$0x1] =	stream.indirect.gather [hbm4b:s4+s18], $0x80, s23, s18, $0xb8;
	[tilespmem:$0x1D000] =	vst v63  }
0x48: {  	p0 =	sne.s32 s22, $0x9C00;
	_ =	swait.ge [sflag:s15], $0x4000  }
.Ltmp1:
0x49: {  	[sflag:s15] =	ssyncset.done $0x0;
	(pc) =	sbr.rel @p0 .LBB2_4-.Ltmp1, $4  }
0x4a: {  	s21 =	sadd.s32 $0x16800, s21;
	[sflag:s15] =	ssyncadd.s32 $0xFFFFC000  }
0x4b: {  	[spmem:s1] =	stream.indirect.scatter.add.f32 [tilespmem:s14], [sflag:$0x1], $0x80, s21, s18, $0xb8;
	[tilespmem:$0x1D000] =	vst v63  }
0x4c: {  	_ =	swait.ge [sflag:s15], $0x4000  }
0x4d: {  	s22 =	smov.u32 s25;
	s21 =	sshra.s32 s24, $0x2;
	[sflag:s15] =	ssyncset.done $0x0  }
0x4e: {  	s22 =	sadd.s32 $0x14000, s21;
	[sflag:s15] =	ssyncadd.s32 $0xFFFFC000  }
0x4f: {  	[tilespmem:s14], [sflag:$0x1] =	stream.indirect.gather [hbm4b:s4+s18], $0x80, s22, s18, $0xb8;
	[tilespmem:$0x1D000] =	vst v63  }
0x50: {  	_ =	swait.ge [sflag:s15], $0x4000  }
0x51: {  	[sflag:s15] =	ssyncset.done $0x0  }
0x52: {  	s31 =	sadd.s32 $0x16800, s21;
	[sflag:s15] =	ssyncadd.s32 $0xFFFFC000  }
0x53: {  	[spmem:s1] =	stream.indirect.scatter.add.f32 [tilespmem:s14], [sflag:$0x1], $0x80, s31, s18, $0xb8;
	[tilespmem:$0x1D000] =	vst v63  }
0x54: {  	_ =	swait.ge [sflag:s15], $0x4000  }
0x55: {  	s3 =	sadd.s32 $0x1, s3;
	[sflag:s15] =	ssyncset.done $0x0  }
0x56: {  	p0 =	sne.s32 s3, s9;
	[sflag:s15] =	ssyncadd.s32 $0xFFFFC000  }
.Ltmp2:
0x57: {  	[bflag:$0x0] =	sbarrier.arrive $0xFFFF;
	(pc) =	sbr.rel @p0 .LBB2_1-.Ltmp2, $4  }
0x58: {  	[hbm:s8], [sflag:s19] =	dma.local [spmem:s20], $0x2800  }
0x59: {  	_ =	swait.ge [sflag:s15], $0x2800  }
0x5a: {  	[sflag:s15] =	ssyncset.done $0x0  }
0x5b: {  	[sflag:s15] =	ssyncadd.s32 $0xFFFFD800  }
0x5c: {  	_ =	sfence.sel $0x180000  }
0x5d: {  	[bflag:$0x0] =	sbarrier.arrive $0xFFFF  }
0x5e: {  	p0 =	sne.s32 s2, $0x0;
	_ =	strace $0x9000004D  }
0x5f: {  	s0 =	sadd.s32 @!p0 $0x100000, s0;
	[bflag:$0x2] =	sbarrier.arrive $0xFFFF  }
0x60: {  	[sflag:s0] =	ssyncadd.tile.s32 @!p0 $0x1;
	_ =	shalt  }
.Lfunc_end2:
_tile_overlayer_lowered:
.L_overlay_start_2:
0x61: {  	(tag) =	ssettag $0x2  }
0x62: {  	s0 =	rddreg [dreg:$0x0];
	s2 =	stileid.u32  }
0x63: {  	s1 =	rddreg [dreg:$0x1];
	p0 =	sne.s32 s2, $0x0  }
0x64: {  	s3 =	rddreg [dreg:$0x2];
	[bflag:$0x3] =	sbarrier.arrive $0xFFFF;
	s2 =	simm.s32 @!p0 $0x1C01  }
0x65: {  	[timem:s3], [sflag:s2] =	dma.local @!p0 [hbm:s0], s1  }
0x66: {  	s0 =	simm.s32 @!p0 $0x1  }
0x67: {  	_ =	swait.ge @!p0 [sflag:s0], s1  }
0x68: {  	s1 =	ssub.s32 @!p0 $0x0, s1;
	[sflag:s0] =	ssyncset.done @!p0 $0x0  }
0x69: {  	[sflag:s0] =	ssyncadd.s32 @!p0 s1  }
0x6a: {  	[bflag:$0x3] =	sbarrier.arrive $0xFFFF  }
0x6b: {  	_ =	shalt  }

// kernel: kernel.8.cloned.1.call-start
scs
__scs_entry_jumppad:
0x0: {  	(pc) =	sbr.rel $0x88, $3  }
0x1: {  	(tag) =	ssettag $0x0;
	lr =	simm.s32 $0x1  }
0x2: {  	[smem:$0x3F95] =	sst lr;
	_ =	strace $0xD0000000  }
0x3: {  	_ = 	snop  }
0x4: {  	_ = 	snop  }
0x5: {  	_ = 	snop  }
0x6: {  	_ = 	snop  }
0x7: {  	_ = 	snop  }
__scs_overlays_trampoline_lowered:
0x8: {  	[smem:$0x3FA4] =	sst s0  }
0x9: {  	[smem:$0x3FA5] =	sst s1  }
0xa: {  	[smem:$0x3FA6] =	sst s2  }
0xb: {  	[smem:$0x3FA7] =	sst s3  }
0xc: {  	[smem:$0x3FA8] =	sst s4  }
0xd: {  	[smem:$0x3FA9] =	sst s5  }
0xe: {  	[smem:$0x3FAA] =	sst s6  }
0xf: {  	[smem:$0x3FAB] =	sst s7  }
0x10: {  	[smem:$0x3FAC] =	sst s8  }
0x11: {  	[smem:$0x3FAD] =	sst s9;
	s0 =	simm.s32 @!p0 $0x0  }
0x12: {  	s1 =	sld [smem:$0x3F93];
	s0 =	simm.s32 @p0 $0x1  }
0x13: {  	[smem:$0x3FAE] =	sst s0;
	s0 =	simm.s32 @!p1 $0x0  }
0x14: {  	s2 =	sld [smem:$0x3F92];
	s0 =	simm.s32 @p1 $0x1  }
0x15: {  	[smem:$0x3FAF] =	sst s0;
	s0 =	simm.s32 @!p2 $0x0  }
0x16: {  	s3 =	sld [smem:$0x3FDB];
	s0 =	simm.s32 @p2 $0x1  }
0x17: {  	s4 =	simm.s32 $0x1BF5;
	[smem:$0x3FB1] =	sst s0  }
0x18: {  	s0 =	sld [smem:$0x3F94];
	_ =	swait.ge [sflag:s4], $0x0  }
0x19: {  	s7 =	sld [smem:$0x3F95]  }
0x1a: {  	s8 =	sadd.s32 $0xFFFFE003, lr  }
0x1b: {  	s9 =	sadd.s32 $0xFFFFFEF7, lr;
	s5 =	simm.s32 $0xFFFFFFFF;
	p2 =	slt.u32 s8, $0xFFFFF086  }
0x1c: {  	p1 =	slt.u32 s9, $0xF7A;
	s5 =	simm.s32 @!p2 $0x0  }
0x1d: {  	s5 =	simm.s32 @p1 $0x1;
	p0 =	seq.s32 s7, s2  }
0x1e: {  	s7 =	smul.u32 @!p0 $0xF7A, s2;
	p2 =	seq.s32 @!p0 s5, $0x0  }
0x1f: {  	s9 =	smul.u32 $0xF7A, s1;
	s8 =	simm.s32 @!p0 $0x1BF5;
	p2 =	por !p2, p0  }
0x20: {  	[sflag:s8] =	ssyncset.s32 @!p0 $0xFFFFF086;
	s6 =	sadd.s32 @!p0 s3, s7;
	s7 =	simm.s32 @!p0 $0x108  }
0x21: {  	s3 =	sadd.s32 s3, s9;
	s6 =	sadd.s32 @!p0 $0x88, s6;
	s7 =	simm.s32 @p2 $0x1082  }
0x22: {  	[simem:s7], [sflag:s8] =	dma.local @!p0 [hbm:s6], $0xF7A  }
0x23: {  	s9 =	sor.u32 $0xD0000000, s2;
	s6 =	simm.s32 $0x108;
	_ =	swait.ge @!p0 [sflag:s8], $0x0  }
0x24: {  	s3 =	sadd.s32 $0x88, s3;
	s6 =	simm.s32 @!p1 $0x1082;
	[sflag:s4] =	ssyncset.s32 $0xFFFFF086  }
0x25: {  	[simem:s6], [sflag:s4] =	dma.local [hbm:s3], $0xF7A  }
0x26: {  	[smem:$0x3F95] =	sst s1;
	(tag) =	ssettag s2;
	_ =	strace s9  }
0x27: {  	s1 =	sld [smem:$0x3FA5]  }
0x28: {  	s2 =	sld [smem:$0x3FA6]  }
0x29: {  	s4 =	sld [smem:$0x3FA8]  }
0x2a: {  	p0 =	seq.s32 s5, $0x0;
	s5 =	sld [smem:$0x3FA9]  }
0x2b: {  	s6 =	sld [smem:$0x3FAA]  }
0x2c: {  	s7 =	sld [smem:$0x3FAB]  }
0x2d: {  	s3 =	simm.s32 $0x108;
	s8 =	sld [smem:$0x3FAC]  }
0x2e: {  	s3 =	simm.s32 @!p0 $0x1082;
	s9 =	sld [smem:$0x3FAD]  }
0x2f: {  	lr =	sadd.s32 s0, s3;
	s0 =	sld [smem:$0x3FA4]  }
0x30: {  	s3 =	sld [smem:$0x3FA7]  }
0x31: {  	[smem:$0x3FB0] =	sst s10  }
0x32: {  	s10 =	sld [smem:$0x3FAE];
	_ =	sdelay $0x3  }
0x33: {  	p0 =	seq.s32 s10, $0x1;
	s10 =	sld [smem:$0x3FB0];
	_ =	sdelay $0x3  }
0x34: {  	[smem:$0x3FB0] =	sst s10  }
0x35: {  	s10 =	sld [smem:$0x3FAF];
	_ =	sdelay $0x3  }
0x36: {  	p1 =	seq.s32 s10, $0x1;
	s10 =	sld [smem:$0x3FB0];
	_ =	sdelay $0x3  }
0x37: {  	[smem:$0x3FB0] =	sst s10  }
0x38: {  	s10 =	sld [smem:$0x3FB1]  }
0x39: {  	_ = 	snop;
	(pc) =	sbr.ind lr, $3  }
0x3a: {  	_ = 	snop  }
0x3b: {  	_ = 	snop  }
0x3c: {  	p2 =	seq.s32 s10, $0x1;
	s10 =	sld [smem:$0x3FB0]  }
0x3d: {  	_ =	shalt  }
0x3e: {  	_ =	shalt  }
0x3f: {  	_ =	shalt  }
0x40: {  	_ =	shalt  }
0x41: {  	_ =	shalt  }
0x42: {  	_ =	shalt  }
0x43: {  	_ =	shalt  }
0x44: {  	_ =	shalt  }
0x45: {  	_ =	shalt  }
0x46: {  	_ =	shalt  }
0x47: {  	_ =	shalt  }
0x48: {  	_ =	shalt  }
0x49: {  	_ =	shalt  }
0x4a: {  	_ =	shalt  }
0x4b: {  	_ =	shalt  }
0x4c: {  	_ =	shalt  }
0x4d: {  	_ =	shalt  }
0x4e: {  	_ =	shalt  }
0x4f: {  	_ =	shalt  }
0x50: {  	_ =	shalt  }
0x51: {  	_ =	shalt  }
0x52: {  	_ =	shalt  }
0x53: {  	_ =	shalt  }
0x54: {  	_ =	shalt  }
0x55: {  	_ =	shalt  }
0x56: {  	_ =	shalt  }
0x57: {  	_ =	shalt  }
0x58: {  	_ =	shalt  }
0x59: {  	_ =	shalt  }
0x5a: {  	_ =	shalt  }
0x5b: {  	_ =	shalt  }
0x5c: {  	_ =	shalt  }
0x5d: {  	_ =	shalt  }
0x5e: {  	_ =	shalt  }
0x5f: {  	_ =	shalt  }
0x60: {  	_ =	shalt  }
0x61: {  	_ =	shalt  }
0x62: {  	_ =	shalt  }
0x63: {  	_ =	shalt  }
0x64: {  	_ =	shalt  }
0x65: {  	_ =	shalt  }
0x66: {  	_ =	shalt  }
0x67: {  	_ =	shalt  }
0x68: {  	_ =	shalt  }
0x69: {  	_ =	shalt  }
0x6a: {  	_ =	shalt  }
0x6b: {  	_ =	shalt  }
0x6c: {  	_ =	shalt  }
0x6d: {  	_ =	shalt  }
0x6e: {  	_ =	shalt  }
0x6f: {  	_ =	shalt  }
0x70: {  	_ =	shalt  }
0x71: {  	_ =	shalt  }
0x72: {  	_ =	shalt  }
0x73: {  	_ =	shalt  }
0x74: {  	_ =	shalt  }
0x75: {  	_ =	shalt  }
0x76: {  	_ =	shalt  }
0x77: {  	_ =	shalt  }
0x78: {  	_ =	shalt  }
0x79: {  	_ =	shalt  }
0x7a: {  	_ =	shalt  }
0x7b: {  	_ =	shalt  }
0x7c: {  	_ =	shalt  }
0x7d: {  	_ =	shalt  }
0x7e: {  	_ =	shalt  }
0x7f: {  	_ =	shalt  }
0x80: {  	_ =	shalt  }
0x81: {  	_ =	shalt  }
0x82: {  	_ =	shalt  }
0x83: {  	_ =	shalt  }
0x84: {  	_ =	shalt  }
0x85: {  	_ =	shalt  }
0x86: {  	_ =	shalt  }
0x87: {  	_ =	shalt  }
.Lfunc_end0:
.L_simem_size_0:
called_computation_lowered:
.L_overlay_start_0:
0x88: {  	s2 =	sld [smem:$0x3FD9]  }
0x89: {  	s3 =	sld [smem:$0x3FFE];
	_ =	sdelay $0x1  }
0x8a: {  	s1 =	srdreg.scid  }
0x8b: {  	s0 =	sand.u32 $0x1, s1  }
0x8c: {  	s17 =	sshll.u32 s0, $0xA;
	s2 =	sadd.s32 s3, s2  }
0x8d: {  	s2 =	sadd.s32 s2, s17  }
0x8e: {  	[smem:$0x3FBC] =	sst s2  }
0x8f: {  	_ = 	snop  }
0x90: {  	s2 =	sld [smem:$0x3FC6];
	(tm) =	ssettm $0x1  }
0x91: {  	s18 =	sld [smem:$0x3FFB];
	_ =	sdelay $0x3  }
0x92: {  	_ =	strace s18  }
0x93: {  	s3 =	sld [smem:$0x3FFC];
	_ =	sdelay $0x3  }
0x94: {  	_ =	strace s3  }
0x95: {  	s3 =	sld [smem:$0x3FFD];
	_ =	sdelay $0x3  }
0x96: {  	_ =	strace s3  }
0x97: {  	_ =	strace $0x8FFFFFFF  }
0x98: {  	s19 =	sld [smem:$0x3FDB];
	_ =	sdelay $0x1  }
0x99: {  	s4 =	simm.s32 $_scs_section_size  }
0x9a: {  	s5 =	simm.s32 $_size__tile_overlayer_lowered;
	s6 =	simm.s32 $_tile_overlayer_lowered  }
0x9b: {  	s22 =	simm.s32 $0x1BFF;
	s21 =	sshll.u32 s6, $0x1;
	s3 =	sadd.s32 s4, s19  }
0x9c: {  	s7 =	simm.s32 $0x0;
	s20 =	sshll.u32 s5, $0x1;
	s5 =	sadd.s32 s21, s3  }
0x9d: {  	[timem:s7], [sflag:s22] =	dma.local [hbm:s5], s20  }
0x9e: {  	_ =	swait.ge [sflag:s22], s20  }
0x9f: {  	s4 =	ssub.s32 $0x0, s20;
	[sflag:s22] =	ssyncset.done $0x0  }
0xa0: {  	[sflag:s22] =	ssyncadd.s32 s4;
	_ =	sdelay $0x1  }
0xa1: {  	s23 =	simm.s32 $0x1B8B  }
0xa2: {  	_ =	swait.ge [sflag:s23], $0x1  }
0xa3: {  	[sflag:s23] =	ssyncset.done $0x0  }
0xa4: {  	s25 =	simm.s32 $0x1B8E;
	s24 =	sld [smem:$0x3FFE];
	[sflag:s23] =	ssyncadd.s32 $0xFFFFFFFF  }
0xa5: {  	s26 =	simm.s32 $execute0_lowered;
	[smem:$0x3FD2] =	sst s25  }
0xa6: {  	s5 =	sshll.u32 s26, $0x1;
	_ =	strace $0x80000046;
	[dreg:$0x1] =	wrdreg $0xFFFFFFFF  }
0xa7: {  	s28 =	simm.s32 $_size_execute0_lowered;
	s3 =	sadd.s32 s3, s5;
	[dreg:$0x0] =	wrdreg $0x0  }
0xa8: {  	s5 =	sshll.u32 s28, $0x1;
	[dreg:$0x2] =	wrdreg s3  }
0xa9: {  	[dreg:$0x3] =	wrdreg s5  }
0xaa: {  	[dreg:$0x4] =	wrdreg $0xC0  }
0xab: {  	_ =	task [dreg:s7], $0x5FFFF  }
0xac: {  	[dreg:$0x1] =	wrdreg $0xFFFFFFFF  }
0xad: {  	[dreg:$0x0] =	wrdreg $0x60  }
0xae: {  	[dreg:$0x2] =	wrdreg s2  }
0xaf: {  	[dreg:$0x3] =	wrdreg s24  }
0xb0: {  	[dreg:$0x4] =	wrdreg $0x0  }
0xb1: {  	[dreg:$0x5] =	wrdreg $0x9  }
0xb2: {  	_ =	task.clear_ibuf [dreg:s7], $0x6FFFF;
	_ =	strace $0x90000046  }
0xb3: {  	s29 =	simm.s32 $0x9;
	_ =	strace $0x80000048  }
0xb4: {  	_ =	swait.ge [sflag:s29], $0x1  }
0xb5: {  	[sflag:s29] =	ssyncadd.s32 $0xFFFFFFFF  }
0xb6: {  	_ =	strace $0x90000048  }
0xb7: {  	_ =	sfence  }
0xb8: {  	s30 =	sld [smem:$0x0];
	_ =	sdelay $0x2  }
0xb9: {  	s31 =	sshll.u32 s1, $0xD;
	s1 =	sshrl.u32 s1, $0x2  }
0xba: {  	s3 =	sand.u32 $0x4000, s31;
	s1 =	sadd.s32 s1, s30  }
0xbb: {  	s0 =	sor.u32 s3, s0;
	s1 =	sshll.u32 s1, $0x11  }
0xbc: {  	s0 =	sor.u32 s1, s0  }
0xbd: {  	s0 =	sadd.s32 $0x8F2B, s0  }
0xbe: {  	[sflag:s0] =	ssyncadd.remote.s32 $0x1  }
0xbf: {  	_ =	sfence.sel $0xFFFF  }
0xc0: {  	[dreg:$0x0] =	wrdreg $0xFFFFFFFF;
	(pc) =	sbr.abs _section_cstart, $3  }
0xc1: {  	[dreg:$0x1] =	wrdreg $0xFFFFFFFF  }
0xc2: {  	_ =	task.clear_ibuf [dreg:s7], $0x2FFFF;
	_ =	strace $0x9FFFFFFF  }
0xc3: {  	(tm) =	ssettm $0x7FFFFFFF  }
tec
execute0_lowered:
.L_overlay_start_1:
0x0: {  	(tag) =	ssettag $0x1  }
0x1: {  	s0 =	srdreg.scid;
	s1 =	rddreg [dreg:$0x0]  }
0x2: {  	s2 =	rddreg [dreg:$0x1];
	s10 =	stileid.u32  }
0x3: {  	s7 =	rddreg [dreg:$0x2];
	s16 =	simm.s32 $0x1;
	s17 =	simm.s32 $0xA280  }
0x4: {  	s18 =	simm.s32 $0x5000;
	s19 =	simm.s32 $0x80;
	s28 =	simm.s32 $0x1400  }
0x5: {  	s29 =	simm.s32 $0x14000;
	s30 =	simm.s32 $0x7800;
	s31 =	simm.s32 $0x100  }
0x6: {  	s0 =	sand.u32 $0x1, s0;
	s8 =	smul.u32 $0x500, s10;
	s23 =	sshrl.u32 s10, $0x3  }
0x7: {  	s25 =	smul.u32 $0x5000, s10;
	s26 =	sshll.u32 s10, $0x7;
	s3 =	sshll.u32 s0, $0x4  }
0x8: {  	s21 =	sshll.u32 s0, $0x7;
	s0 =	ssub.s32 $0x2, s0;
	s4 =	sor.u32 s10, s3  }
0x9: {  	s3 =	simm.s32 $0x0;
	s22 =	sor.u32 s21, s8;
	s24 =	sshrl.u32 s0, $0x1  }
0xa: {  	s8 =	sshrl.u32 s25, $0x2;
	s21 =	simm.s32 $0x40;
	s5 =	smul.u32 $0x500, s4  }
0xb: {  	[smem:$0x7FF] =	sst s3;
	s6 =	smul.u32 $0xA000, s4;
	s4 =	sshll.u32 s4, $0x7  }
0xc: {  	s0 =	ssub.s32 s0, s24;
	_ =	strace $0x80000047;
	s9 =	sadd.s32 s4, s2  }
0xd: {  	s4 =	sshrl.u32 s22, $0x3;
	s22 =	simm.s32 $0xA680;
	s20 =	sshrl.u32 s6, $0x3  }
0xe: {  	s5 =	sadd.s32 s5, s2;
	s6 =	smul.u32 $0x50000, s23;
	s14 =	sadd.s32 s20, s2  }
0xf: {  	s2 =	sadd.s32 s4, s2;
	s4 =	sadd.s32 $0x2000, s5;
	s5 =	sadd.s32 $0xC000, s9  }
0x10: {  	s9 =	sand.u32 $0x380, s26;
	s26 =	simm.s32 $0xA480;
	s6 =	sshrl.u32 s6, $0x2  }
0x11: {  	s10 =	sadd.s32 $0xD000, s14;
	s11 =	sadd.s32 $0xD400, s14;
	s12 =	sadd.s32 $0xD800, s14  }
0x12: {  	s13 =	sadd.s32 $0xDC00, s14;
	s14 =	sadd.s32 $0xE000, s14;
	s6 =	sadd.s32 s6, s7  }
0x13: {  	s7 =	sadd.s32 s8, s7;
	s8 =	sadd.s32 $0x35000, s2;
	s2 =	simm.s32 $0xA000  }
0x14: {  	v0 =	vimm.f32 $0.0e+00;
	v1 =	vimm.f32 $1.000000000e+00;
	s6 =	sadd.s32 s9, s6;
	s9 =	smax.u32 s0, $0x1;
	s0 =	simm.s32 $0x0  }
.LBB2_1:
0x15: {  	s15 =	simm.s32 $0x2800  }
0x16: {  	[tilespmem:s15], [sflag:$0x1] =	stream.linear.gather [hbm4b:s4+s3], $0x2780, $0x38;
	[tilespmem:$0xC680] =	vst v63  }
0x17: {  	_ =	swait.ge [sflag:s16], $0x2780  }
0x18: {  	[sflag:s16] =	ssyncset.done $0x0  }
0x19: {  	[sflag:s16] =	ssyncadd.s32 $0xFFFFD880  }
0x1a: {  	[tilespmem:s17], [sflag:$0x1] =	stream.linear.gather [hbm4b:s5+s3], $0x280, $0x38;
	[tilespmem:$0xC680] =	vst v63  }
0x1b: {  	_ =	swait.ge [sflag:s16], $0x280  }
0x1c: {  	[sflag:s16] =	ssyncset.done $0x0  }
0x1d: {  	s15 =	simm.s32 $0x0;
	[sflag:s16] =	ssyncadd.s32 $0xFFFFFD80  }
.LBB2_2:
0x1e: {  	p0 =	sne.s32 s15, $0x9FC0  }
.Ltmp0:
0x1f: {  	_ = 	snop;
	(pc) =	sbr.rel @p0 .LBB2_2-.Ltmp0, $3  }
0x20: {  	_ =	sdelay $0x1  }
0x21: {  	s20 =	sshra.s32 s15, $0x2  }
0x22: {  	s15 =	sadd.s32 $0x40, s15;
	[tilespmem:s20+$0x5000] =	vst v0  }
0x23: {  	s15 =	simm.s32 $0x1C0  }
.LBB2_4:
0x24: {  	s20 =	sshra.s32 s15, $0x2  }
0x25: {  	v2 =	vld [tilespmem:s20+$0x2790];
	_ =	sdelay $0x7  }
0x26: {  	[tilespmem:v2+s18+$0x0] =	vst.idx.add.f32.msk $0xffff, v1  }
0x27: {  	v2 =	vld [tilespmem:s20+$0x27A0];
	_ =	sdelay $0x7  }
0x28: {  	[tilespmem:v2+s18+$0x0] =	vst.idx.add.f32.msk $0xffff, v1  }
0x29: {  	v2 =	vld [tilespmem:s20+$0x27B0];
	_ =	sdelay $0x7  }
0x2a: {  	[tilespmem:v2+s18+$0x0] =	vst.idx.add.f32.msk $0xffff, v1  }
0x2b: {  	v2 =	vld [tilespmem:s20+$0x27C0];
	_ =	sdelay $0x7  }
0x2c: {  	[tilespmem:v2+s18+$0x0] =	vst.idx.add.f32.msk $0xffff, v1  }
0x2d: {  	v2 =	vld [tilespmem:s20+$0x27D0];
	_ =	sdelay $0x7  }
0x2e: {  	[tilespmem:v2+s18+$0x0] =	vst.idx.add.f32.msk $0xffff, v1  }
0x2f: {  	v2 =	vld [tilespmem:s20+$0x27E0];
	_ =	sdelay $0x7  }
0x30: {  	[tilespmem:v2+s18+$0x0] =	vst.idx.add.f32.msk $0xffff, v1  }
0x31: {  	v2 =	vld [tilespmem:s20+$0x27F0];
	_ =	sdelay $0x7  }
0x32: {  	[tilespmem:v2+s18+$0x0] =	vst.idx.add.f32.msk $0xffff, v1  }
0x33: {  	v2 =	vld [tilespmem:s20+$0x2800];
	_ =	sdelay $0x2  }
0x34: {  	p0 =	sne.s32 s15, $0x9DC0  }
.Ltmp1:
0x35: {  	_ = 	snop;
	(pc) =	sbr.rel @p0 .LBB2_4-.Ltmp1, $2  }
0x36: {  	_ =	sdelay $0x2  }
0x37: {  	s15 =	sadd.s32 $0x200, s15;
	[tilespmem:v2+s18+$0x0] =	vst.idx.add.f32.msk $0xffff, v1  }
0x38: {  	s15 =	simm.s32 $0x400  }
0x39: {  	[spmem:s6] =	stream.strided.scatter [tilespmem:s18], [sflag:$0x1], $0x2800, s15, s19, $0x38;
	[tilespmem:$0xC680] =	vst v63  }
0x3a: {  	_ =	swait.ge [sflag:s16], $0x2800  }
0x3b: {  	[sflag:s16] =	ssyncset.done $0x0  }
0x3c: {  	[sflag:s16] =	ssyncadd.s32 $0xFFFFD800  }
0x3d: {  	[tilespmem:s22], [sflag:$0x1] =	stream.indirect.gather [hbm4b:s1+s21], $0x80, s17, s21, $0xb8;
	[tilespmem:$0xC680] =	vst v63  }
0x3e: {  	_ =	swait.ge [sflag:s16], $0x2000  }
0x3f: {  	[sflag:s16] =	ssyncset.done $0x0  }
0x40: {  	s15 =	simm.s32 $0x0;
	[sflag:s16] =	ssyncadd.s32 $0xFFFFE000  }
0x41: {  	[hbm4b:s10+s15] =	stream.linear.scatter [tilespmem:s22], [sflag:$0x1], $0x2000, $0x38;
	[tilespmem:$0xC680] =	vst v63  }
0x42: {  	_ =	swait.ge [sflag:s16], $0x2000  }
0x43: {  	[sflag:s16] =	ssyncset.done $0x0  }
0x44: {  	s20 =	simm.s32 $0xA300;
	[sflag:s16] =	ssyncadd.s32 $0xFFFFE000  }
0x45: {  	[tilespmem:s22], [sflag:$0x1] =	stream.indirect.gather [hbm4b:s1+s21], $0x80, s20, s21, $0xb8;
	[tilespmem:$0xC680] =	vst v63  }
0x46: {  	_ =	swait.ge [sflag:s16], $0x2000  }
0x47: {  	[sflag:s16] =	ssyncset.done $0x0  }
0x48: {  	[sflag:s16] =	ssyncadd.s32 $0xFFFFE000  }
0x49: {  	[hbm4b:s11+s15] =	stream.linear.scatter [tilespmem:s22], [sflag:$0x1], $0x2000, $0x38;
	[tilespmem:$0xC680] =	vst v63  }
0x4a: {  	_ =	swait.ge [sflag:s16], $0x2000  }
0x4b: {  	[sflag:s16] =	ssyncset.done $0x0  }
0x4c: {  	s25 =	simm.s32 $0xA380;
	[sflag:s16] =	ssyncadd.s32 $0xFFFFE000  }
0x4d: {  	[tilespmem:s22], [sflag:$0x1] =	stream.indirect.gather [hbm4b:s1+s21], $0x80, s25, s21, $0xb8;
	[tilespmem:$0xC680] =	vst v63  }
0x4e: {  	_ =	swait.ge [sflag:s16], $0x2000  }
0x4f: {  	[sflag:s16] =	ssyncset.done $0x0  }
0x50: {  	[sflag:s16] =	ssyncadd.s32 $0xFFFFE000  }
0x51: {  	[hbm4b:s12+s15] =	stream.linear.scatter [tilespmem:s22], [sflag:$0x1], $0x2000, $0x38;
	[tilespmem:$0xC680] =	vst v63  }
0x52: {  	_ =	swait.ge [sflag:s16], $0x2000  }
0x53: {  	[sflag:s16] =	ssyncset.done $0x0  }
0x54: {  	s23 =	simm.s32 $0xA400;
	[sflag:s16] =	ssyncadd.s32 $0xFFFFE000  }
0x55: {  	[tilespmem:s22], [sflag:$0x1] =	stream.indirect.gather [hbm4b:s1+s21], $0x80, s23, s21, $0xb8;
	[tilespmem:$0xC680] =	vst v63  }
0x56: {  	_ =	swait.ge [sflag:s16], $0x2000  }
0x57: {  	[sflag:s16] =	ssyncset.done $0x0  }
0x58: {  	[sflag:s16] =	ssyncadd.s32 $0xFFFFE000  }
0x59: {  	[hbm4b:s13+s15] =	stream.linear.scatter [tilespmem:s22], [sflag:$0x1], $0x2000, $0x38;
	[tilespmem:$0xC680] =	vst v63  }
0x5a: {  	_ =	swait.ge [sflag:s16], $0x2000  }
0x5b: {  	[sflag:s16] =	ssyncset.done $0x0  }
0x5c: {  	[sflag:s16] =	ssyncadd.s32 $0xFFFFE000  }
0x5d: {  	[tilespmem:s22], [sflag:$0x1] =	stream.indirect.gather [hbm4b:s1+s21], $0x80, s26, s21, $0xb8;
	[tilespmem:$0xC680] =	vst v63  }
0x5e: {  	_ =	swait.ge [sflag:s16], $0x2000  }
0x5f: {  	[sflag:s16] =	ssyncset.done $0x0  }
0x60: {  	[sflag:s16] =	ssyncadd.s32 $0xFFFFE000  }
0x61: {  	[hbm4b:s14+s15] =	stream.linear.scatter [tilespmem:s22], [sflag:$0x1], $0x2000, $0x38;
	[tilespmem:$0xC680] =	vst v63  }
0x62: {  	_ =	swait.ge [sflag:s16], $0x2000  }
0x63: {  	[sflag:s16] =	ssyncset.done $0x0  }
0x64: {  	[sflag:s16] =	ssyncadd.s32 $0xFFFFE000  }
0x65: {  	[bflag:$0x0] =	sbarrier.arrive $0xFFFF  }
0x66: {  	[tilespmem:s30], [sflag:$0x1] =	stream.strided.gather [spmem:s7], $0x2800, s29, s28, $0x38;
	[tilespmem:$0xC680] =	vst v63  }
0x67: {  	_ =	swait.ge [sflag:s16], $0x2800  }
0x68: {  	s24 =	sand.u32 $0x70, s15;
	s15 =	sand.u32 $0x1C00, s15;
	[sflag:s16] =	ssyncset.done $0x0  }
0x69: {  	s15 =	sor.u32 s24, s15;
	[sflag:s16] =	ssyncadd.s32 $0xFFFFD800  }
0x6a: {  	v2 =	vld [tilespmem:s15+$0x7880]  }
0x6b: {  	v3 =	vld [tilespmem:s15+$0x7800];
	_ =	sdelay $0x1  }
0x6c: {  	v4 =	vld [tilespmem:s15+$0x7900];
	_ =	sdelay $0x1  }
0x6d: {  	v5 =	vld [tilespmem:s15+$0x7980]  }
0x6e: {  	v2 =	vadd.f32 v2, v3  }
0x6f: {  	v3 =	vld [tilespmem:s15+$0x7A00]  }
0x70: {  	v2 =	vadd.f32 v4, v2  }
0x71: {  	v56 =	vld [tilespmem:s15+$0x7A80]  }
0x72: {  	v2 =	vadd.f32 v5, v2  }
0x73: {  	v57 =	vld [tilespmem:s15+$0x7B00]  }
0x74: {  	v2 =	vadd.f32 v3, v2  }
0x75: {  	v3 =	vld [tilespmem:s15+$0x7B80]  }
0x76: {  	v2 =	vadd.f32 v56, v2  }
0x77: {  	v58 =	vld [tilespmem:s15+$0x8C00]  }
0x78: {  	v2 =	vadd.f32 v57, v2  }
0x79: {  	v59 =	vld [tilespmem:s15+$0x8C80]  }
0x7a: {  	v2 =	vadd.f32 v3, v2  }
0x7b: {  	v3 =	vld [tilespmem:s15+$0x8D00]  }
0x7c: {  	v2 =	vadd.f32 v58, v2  }
0x7d: {  	v60 =	vld [tilespmem:s15+$0x8D80]  }
0x7e: {  	v2 =	vadd.f32 v59, v2  }
0x7f: {  	v61 =	vld [tilespmem:s15+$0x8E00]  }
0x80: {  	v2 =	vadd.f32 v3, v2  }
0x81: {  	v3 =	vld [tilespmem:s15+$0x8E80]  }
0x82: {  	v2 =	vadd.f32 v60, v2  }
0x83: {  	v62 =	vld [tilespmem:s15+$0x8F00]  }
0x84: {  	v2 =	vadd.f32 v61, v2  }
0x85: {  	v63 =	vld [tilespmem:s15+$0x8F80]  }
0x86: {  	v2 =	vadd.f32 v3, v2;
	_ =	sdelay $0x1  }
0x87: {  	v2 =	vadd.f32 v62, v2;
	_ =	sdelay $0x1  }
0x88: {  	s25 =	simm.s32 $0x10;
	s23 =	simm.s32 $0x80;
	v2 =	vadd.f32 v63, v2  }
0x89: {  	s20 =	sand.u32 $0x70, s25;
	s24 =	sand.u32 $0x1C00, s23;
	s15 =	simm.s32 $0xA000  }
0x8a: {  	s20 =	sor.u32 s20, s24;
	s24 =	simm.s32 $0x20;
	[tilespmem:s15+$0x0] =	vst v2  }
.LBB2_6:
0x8b: {  	p0 =	sne.s32 s24, $0x270;
	v2 =	vld [tilespmem:s20+$0x7880]  }
0x8c: {  	v3 =	vld [tilespmem:s20+$0x7800];
	_ =	sdelay $0x1  }
0x8d: {  	v4 =	vld [tilespmem:s20+$0x7900];
	_ =	sdelay $0x1  }
0x8e: {  	v5 =	vld [tilespmem:s20+$0x7980]  }
0x8f: {  	v2 =	vadd.f32 v2, v3  }
0x90: {  	v3 =	vld [tilespmem:s20+$0x7A00]  }
0x91: {  	v2 =	vadd.f32 v4, v2  }
0x92: {  	v4 =	vld [tilespmem:s20+$0x7A80]  }
0x93: {  	v2 =	vadd.f32 v5, v2  }
0x94: {  	v5 =	vld [tilespmem:s20+$0x7B00]  }
0x95: {  	v2 =	vadd.f32 v3, v2  }
0x96: {  	v3 =	vld [tilespmem:s20+$0x7B80]  }
0x97: {  	v2 =	vadd.f32 v4, v2  }
0x98: {  	v4 =	vld [tilespmem:s20+$0x8C00]  }
0x99: {  	v2 =	vadd.f32 v5, v2  }
0x9a: {  	v5 =	vld [tilespmem:s20+$0x8C80]  }
0x9b: {  	v2 =	vadd.f32 v3, v2  }
0x9c: {  	v3 =	vld [tilespmem:s20+$0x8D00]  }
0x9d: {  	v2 =	vadd.f32 v4, v2  }
0x9e: {  	v4 =	vld [tilespmem:s20+$0x8D80]  }
0x9f: {  	v2 =	vadd.f32 v5, v2  }
0xa0: {  	v5 =	vld [tilespmem:s20+$0x8E00]  }
0xa1: {  	v2 =	vadd.f32 v3, v2  }
0xa2: {  	v3 =	vld [tilespmem:s20+$0x8E80]  }
0xa3: {  	v2 =	vadd.f32 v4, v2  }
0xa4: {  	v4 =	vld [tilespmem:s20+$0x8F00]  }
0xa5: {  	v2 =	vadd.f32 v5, v2  }
0xa6: {  	v5 =	vld [tilespmem:s20+$0x8F80]  }
0xa7: {  	v2 =	vadd.f32 v3, v2;
	_ =	sdelay $0x1  }
.Ltmp2:
0xa8: {  	v2 =	vadd.f32 v4, v2;
	(pc) =	sbr.rel @p0 .LBB2_6-.Ltmp2, $4  }
0xa9: {  	_ = 	snop  }
0xaa: {  	s23 =	sadd.s32 $0x80, s23;
	v2 =	vadd.f32 v5, v2  }
0xab: {  	s15 =	sadd.s32 $0x10, s15;
	s25 =	sand.u32 $0x1C00, s23;
	s20 =	sand.u32 $0x70, s24  }
0xac: {  	s24 =	sadd.s32 $0x10, s24;
	s20 =	sor.u32 s20, s25;
	[tilespmem:s15+$0x0] =	vst v2  }
0xad: {  	v2 =	vld [tilespmem:s20+$0x7880]  }
0xae: {  	v3 =	vld [tilespmem:s20+$0x7800];
	_ =	sdelay $0x1  }
0xaf: {  	v4 =	vld [tilespmem:s20+$0x7900];
	_ =	sdelay $0x1  }
0xb0: {  	v5 =	vld [tilespmem:s20+$0x7980]  }
0xb1: {  	v2 =	vadd.f32 v2, v3  }
0xb2: {  	v3 =	vld [tilespmem:s20+$0x7A00]  }
0xb3: {  	v2 =	vadd.f32 v4, v2  }
0xb4: {  	v56 =	vld [tilespmem:s20+$0x7A80]  }
0xb5: {  	v2 =	vadd.f32 v5, v2  }
0xb6: {  	v57 =	vld [tilespmem:s20+$0x7B00]  }
0xb7: {  	v2 =	vadd.f32 v3, v2  }
0xb8: {  	v3 =	vld [tilespmem:s20+$0x7B80]  }
0xb9: {  	v2 =	vadd.f32 v56, v2  }
0xba: {  	v58 =	vld [tilespmem:s20+$0x8C00]  }
0xbb: {  	v2 =	vadd.f32 v57, v2  }
0xbc: {  	v59 =	vld [tilespmem:s20+$0x8C80]  }
0xbd: {  	v2 =	vadd.f32 v3, v2  }
0xbe: {  	v3 =	vld [tilespmem:s20+$0x8D00]  }
0xbf: {  	v2 =	vadd.f32 v58, v2  }
0xc0: {  	v60 =	vld [tilespmem:s20+$0x8D80]  }
0xc1: {  	v2 =	vadd.f32 v59, v2  }
0xc2: {  	v61 =	vld [tilespmem:s20+$0x8E00]  }
0xc3: {  	v2 =	vadd.f32 v3, v2  }
0xc4: {  	v3 =	vld [tilespmem:s20+$0x8E80]  }
0xc5: {  	v2 =	vadd.f32 v60, v2  }
0xc6: {  	v62 =	vld [tilespmem:s20+$0x8F00]  }
0xc7: {  	v2 =	vadd.f32 v61, v2  }
0xc8: {  	v63 =	vld [tilespmem:s20+$0x8F80]  }
0xc9: {  	v2 =	vadd.f32 v3, v2;
	_ =	sdelay $0x1  }
0xca: {  	v2 =	vadd.f32 v62, v2;
	_ =	sdelay $0x1  }
0xcb: {  	s0 =	sadd.s32 $0x1, s0;
	v2 =	vadd.f32 v63, v2  }
0xcc: {  	s15 =	sadd.s32 $0x10, s15;
	p0 =	sne.s32 s0, s9  }
.Ltmp3:
0xcd: {  	[tilespmem:s15+$0x0] =	vst v2;
	(pc) =	sbr.rel @p0 .LBB2_1-.Ltmp3, $4  }
0xce: {  	[hbm4b:s8+s19] =	stream.strided.scatter [tilespmem:s2], [sflag:$0x1], $0x280, s31, s19, $0x38;
	[tilespmem:$0xC680] =	vst v63  }
0xcf: {  	_ =	swait.ge [sflag:s16], $0x280  }
0xd0: {  	[sflag:s16] =	ssyncset.done $0x0  }
0xd1: {  	[sflag:s16] =	ssyncadd.s32 $0xFFFFFD80  }
0xd2: {  	_ =	sfence.sel $0x180000  }
0xd3: {  	[bflag:$0x0] =	sbarrier.arrive $0xFFFF  }
0xd4: {  	_ =	strace $0x90000047  }
0xd5: {  	s0 =	stileid.u32;
	[bflag:$0x2] =	sbarrier.arrive $0xFFFF  }
0xd6: {  	p0 =	sne.s32 s0, $0x0;
	s0 =	rddreg [dreg:$0x3]  }
0xd7: {  	s0 =	sadd.s32 @!p0 $0x100000, s0  }
0xd8: {  	[sflag:s0] =	ssyncadd.tile.s32 @!p0 $0x1;
	_ =	shalt  }
.Lfunc_end2:
_tile_overlayer_lowered:
.L_overlay_start_2:
0xd9: {  	(tag) =	ssettag $0x2  }
0xda: {  	s0 =	rddreg [dreg:$0x0];
	s2 =	stileid.u32  }
0xdb: {  	s1 =	rddreg [dreg:$0x1];
	p0 =	sne.s32 s2, $0x0  }
0xdc: {  	s3 =	rddreg [dreg:$0x2];
	[bflag:$0x3] =	sbarrier.arrive $0xFFFF;
	s2 =	simm.s32 @!p0 $0x1C01  }
0xdd: {  	[timem:s3], [sflag:s2] =	dma.local @!p0 [hbm:s0], s1  }
0xde: {  	s0 =	simm.s32 @!p0 $0x1  }
0xdf: {  	_ =	swait.ge @!p0 [sflag:s0], s1  }
0xe0: {  	s1 =	ssub.s32 @!p0 $0x0, s1;
	[sflag:s0] =	ssyncset.done @!p0 $0x0  }
0xe1: {  	[sflag:s0] =	ssyncadd.s32 @!p0 s1  }
0xe2: {  	[bflag:$0x3] =	sbarrier.arrive $0xFFFF  }
0xe3: {  	_ =	shalt  }

</sc_bundles>
